<compile_context>
chip_gen: v7x
topology: tpu7x:2x2x1
jax: 0.10.2.dev20260603
libtpu: 0.0.44.dev20260713+nightly
codegen_flags: <defaults>
</compile_context>

<pallas_src>
import functools

import jax
import jax.numpy as jnp
from jax import lax
from jax.experimental import pallas as pl
from jax.experimental.pallas import tpu as pltpu
from jax.experimental.pallas import tpu_sc as plsc

N = 10000
D = 128
E = 320000
R = 4
EPS = 1e-5

NC = 2
NS = 16
NPAD = 10240
ROWS_PER_TILE = NPAD // NS
EPT = E // (NC * NS)
CH = 80
NCHUNK = EPT // CH
ZROWS = 40

BN_ROWS = 2000
GRID = N // BN_ROWS



def _etype_body(src_ref, w0_ref, w1_ref, w2_ref, w3_ref, gidx_ref):
    w0, w1, w2, w3 = w0_ref[...], w1_ref[...], w2_ref[...], w3_ref[...]
    et = jnp.where(w1 > w0, 1, 0)
    mx = jnp.maximum(w0, w1)
    et = jnp.where(w2 > mx, 2, et)
    mx = jnp.maximum(mx, w2)
    et = jnp.where(w3 > mx, 3, et)
    gidx_ref[...] = et.astype(jnp.int32) * N + src_ref[...]


def _gather_indices(src2, ews):
    return pl.pallas_call(
        _etype_body,
        out_shape=jax.ShapeDtypeStruct(src2.shape, jnp.int32),
    )(src2, *ews)


def _hr1_body(x_ref, w_ref, hr_ref):
    xb = x_ref[...]
    for r in range(R):
        hr_ref[r] = jnp.dot(xb, w_ref[r], preferred_element_type=jnp.float32)


def _hr_first(x, rel_w):
    return pl.pallas_call(
        _hr1_body,
        grid=(GRID,),
        in_specs=[pl.BlockSpec((BN_ROWS, D), lambda i: (i, 0)),
                  pl.BlockSpec((R, D, D), lambda i: (0, 0, 0))],
        out_specs=pl.BlockSpec((R, BN_ROWS, D), lambda i: (0, i, 0)),
        out_shape=jax.ShapeDtypeStruct((R, N, D), jnp.float32),
    )(x, rel_w)


def _hr_bn_body(pre_ref, scale_ref, shift_ref, w_ref, h_ref, hr_ref):
    h = jnp.maximum(pre_ref[...] * scale_ref[...] + shift_ref[...], 0.0)
    h_ref[...] = h
    for r in range(R):
        hr_ref[r] = jnp.dot(h, w_ref[r], preferred_element_type=jnp.float32)


def _hr_next(pre, scale, shift, rel_w):
    return pl.pallas_call(
        _hr_bn_body,
        grid=(GRID,),
        in_specs=[pl.BlockSpec((BN_ROWS, D), lambda i: (i, 0)),
                  pl.BlockSpec((1, D), lambda i: (0, 0)),
                  pl.BlockSpec((1, D), lambda i: (0, 0)),
                  pl.BlockSpec((R, D, D), lambda i: (0, 0, 0))],
        out_specs=[pl.BlockSpec((BN_ROWS, D), lambda i: (i, 0)),
                   pl.BlockSpec((R, BN_ROWS, D), lambda i: (0, i, 0))],
        out_shape=[jax.ShapeDtypeStruct((N, D), jnp.float32),
                   jax.ShapeDtypeStruct((R, N, D), jnp.float32)],
    )(pre, scale, shift, rel_w)


def _pre_body(agg_ref, x_ref, lw_ref, b_ref, g_ref, bb_ref,
              pre_ref, scale_ref, shift_ref, ssum, ssq):
    i = pl.program_id(0)

    @pl.when(i == 0)
    def _():
        ssum[...] = jnp.zeros_like(ssum)
        ssq[...] = jnp.zeros_like(ssq)

    pre = (agg_ref[0] + agg_ref[1]
           + jnp.dot(x_ref[...], lw_ref[...], preferred_element_type=jnp.float32)
           + b_ref[...])
    pre_ref[...] = pre
    ssum[...] += jnp.sum(pre, axis=0, keepdims=True)
    ssq[...] += jnp.sum(pre * pre, axis=0, keepdims=True)

    @pl.when(i == GRID - 1)
    def _():
        mean = ssum[...] * (1.0 / N)
        var = ssq[...] * (1.0 / N) - mean * mean
        sc = g_ref[...] * lax.rsqrt(var + EPS)
        scale_ref[...] = sc
        shift_ref[...] = bb_ref[...] - mean * sc


def _pre_stats(agg, x, loop_w, bias, gamma, beta):
    return pl.pallas_call(
        _pre_body,
        grid=(GRID,),
        in_specs=[pl.BlockSpec((NC, BN_ROWS, D), lambda i: (0, i, 0)),
                  pl.BlockSpec((BN_ROWS, D), lambda i: (i, 0)),
                  pl.BlockSpec((D, D), lambda i: (0, 0)),
                  pl.BlockSpec((1, D), lambda i: (0, 0)),
                  pl.BlockSpec((1, D), lambda i: (0, 0)),
                  pl.BlockSpec((1, D), lambda i: (0, 0))],
        out_specs=[pl.BlockSpec((BN_ROWS, D), lambda i: (i, 0)),
                   pl.BlockSpec((1, D), lambda i: (0, 0)),
                   pl.BlockSpec((1, D), lambda i: (0, 0))],
        out_shape=[jax.ShapeDtypeStruct((N, D), jnp.float32),
                   jax.ShapeDtypeStruct((1, D), jnp.float32),
                   jax.ShapeDtypeStruct((1, D), jnp.float32)],
        scratch_shapes=[pltpu.VMEM((1, D), jnp.float32),
                        pltpu.VMEM((1, D), jnp.float32)],
    )(agg, x, loop_w, bias, gamma, beta)


def _fin_body(pre_ref, scale_ref, shift_ref, wT_ref, b_ref, g_ref, bb_ref,
              out_ref, scl_ref, shf_ref, ssum, ssq):
    i = pl.program_id(0)

    @pl.when(i == 0)
    def _():
        ssum[...] = jnp.zeros_like(ssum)
        ssq[...] = jnp.zeros_like(ssq)

    h = jnp.maximum(pre_ref[...] * scale_ref[...] + shift_ref[...], 0.0)
    op = jnp.dot(h, wT_ref[...], preferred_element_type=jnp.float32) + b_ref[...]
    out_ref[...] = op
    ssum[...] += jnp.sum(op, axis=0, keepdims=True)
    ssq[...] += jnp.sum(op * op, axis=0, keepdims=True)

    @pl.when(i == GRID - 1)
    def _():
        mean = ssum[...] * (1.0 / N)
        var = ssq[...] * (1.0 / N) - mean * mean
        sc = g_ref[...] * lax.rsqrt(var + EPS)
        scl_ref[...] = sc
        shf_ref[...] = bb_ref[...] - mean * sc


def _final_linear(pre, scale, shift, lin_wT, lin_b, gamma_l, beta_l):
    return pl.pallas_call(
        _fin_body,
        grid=(GRID,),
        in_specs=[pl.BlockSpec((BN_ROWS, D), lambda i: (i, 0)),
                  pl.BlockSpec((1, D), lambda i: (0, 0)),
                  pl.BlockSpec((1, D), lambda i: (0, 0)),
                  pl.BlockSpec((D, D), lambda i: (0, 0)),
                  pl.BlockSpec((1, D), lambda i: (0, 0)),
                  pl.BlockSpec((1, D), lambda i: (0, 0)),
                  pl.BlockSpec((1, D), lambda i: (0, 0))],
        out_specs=[pl.BlockSpec((BN_ROWS, D), lambda i: (i, 0)),
                   pl.BlockSpec((1, D), lambda i: (0, 0)),
                   pl.BlockSpec((1, D), lambda i: (0, 0))],
        out_shape=[jax.ShapeDtypeStruct((N, D), jnp.float32),
                   jax.ShapeDtypeStruct((1, D), jnp.float32),
                   jax.ShapeDtypeStruct((1, D), jnp.float32)],
        scratch_shapes=[pltpu.VMEM((1, D), jnp.float32),
                        pltpu.VMEM((1, D), jnp.float32)],
    )(pre, scale, shift, lin_wT, lin_b, gamma_l, beta_l)


def _norm_body(x_ref, scale_ref, shift_ref, out_ref):
    out_ref[...] = x_ref[...] * scale_ref[...] + shift_ref[...]


def _normalize(x, scale, shift):
    return pl.pallas_call(
        _norm_body,
        grid=(GRID,),
        in_specs=[pl.BlockSpec((BN_ROWS, D), lambda i: (i, 0)),
                  pl.BlockSpec((1, D), lambda i: (0, 0)),
                  pl.BlockSpec((1, D), lambda i: (0, 0))],
        out_specs=pl.BlockSpec((BN_ROWS, D), lambda i: (i, 0)),
        out_shape=jax.ShapeDtypeStruct((N, D), jnp.float32),
    )(x, scale, shift)



def _sc_edge_agg(hr2, gidx4, didx4):
    mesh = plsc.VectorSubcoreMesh(core_axis_name="c", subcore_axis_name="s")

    @functools.partial(
        pl.kernel,
        out_type=jax.ShapeDtypeStruct((NC, NPAD, D), jnp.float32),
        mesh=mesh,
        scratch_types=[
            pltpu.VMEM((NCHUNK, CH), jnp.int32),
            pltpu.VMEM((NCHUNK, CH), jnp.int32),
            pltpu.VMEM((CH, D), jnp.float32),
            pltpu.VMEM((ZROWS, D), jnp.float32),
            pltpu.VMEM_SHARED((NPAD, D), jnp.float32),
            pltpu.SemaphoreType.DMA,
        ],
    )
    def k(hr_hbm, gidx_hbm, didx_hbm, out_hbm,
          gidx_v, didx_v, rows_v, zbuf, agg_sh, sem):
        c = lax.axis_index("c")
        s = lax.axis_index("s")
        row0 = s * ROWS_PER_TILE

        def zfill(i, carry):
            zbuf[i // 8, pl.ds((i % 8) * 16, 16)] = jnp.zeros((16,), jnp.float32)
            return carry
        lax.fori_loop(0, ZROWS * 8, zfill, 0)

        def zcopy(kk, carry):
            pltpu.sync_copy(zbuf, agg_sh.at[pl.ds(row0 + kk * ZROWS, ZROWS), :])
            return carry
        lax.fori_loop(0, ROWS_PER_TILE // ZROWS, zcopy, 0)

        pltpu.sync_copy(gidx_hbm.at[c, s], gidx_v)
        pltpu.sync_copy(didx_hbm.at[c, s], didx_v)
        plsc.subcore_barrier()

        def body(j, carry):
            pltpu.async_copy(hr_hbm.at[gidx_v.at[j]], rows_v, sem).wait()
            pltpu.sync_copy(rows_v, agg_sh.at[didx_v.at[j]], add=True)
            return carry
        lax.fori_loop(0, NCHUNK, body, 0)

        plsc.subcore_barrier()
        pltpu.sync_copy(agg_sh.at[pl.ds(row0, ROWS_PER_TILE), :],
                        out_hbm.at[c, pl.ds(row0, ROWS_PER_TILE), :])

    return k(hr2, gidx4, didx4)



def kernel(x, edge_index, edge_w,
           rel_w0, loop_w0, bias0, gamma0, beta0,
           rel_w1, loop_w1, bias1, gamma1, beta1,
           rel_w2, loop_w2, bias2, gamma2, beta2,
           lin_w, lin_b, gamma_l, beta_l):
    src2 = edge_index[0].reshape(E // D, D)
    ews = [edge_w[:, r].reshape(E // D, D) for r in range(R)]
    gidx4 = _gather_indices(src2, ews).reshape(NC, NS, NCHUNK, CH)
    didx4 = edge_index[1].reshape(NC, NS, NCHUNK, CH)

    rel_ws = (rel_w0, rel_w1, rel_w2)
    loop_ws = (loop_w0, loop_w1, loop_w2)
    biases = (bias0.reshape(1, D), bias1.reshape(1, D), bias2.reshape(1, D))
    gammas = (gamma0.reshape(1, D), gamma1.reshape(1, D), gamma2.reshape(1, D))
    betas = (beta0.reshape(1, D), beta1.reshape(1, D), beta2.reshape(1, D))

    h = x
    pre = scale = shift = None
    for l in range(3):
        if l == 0:
            hr = _hr_first(x, rel_ws[0])
        else:
            h, hr = _hr_next(pre, scale, shift, rel_ws[l])
        agg = _sc_edge_agg(hr.reshape(R * N, D), gidx4, didx4)[:, :N, :]
        pre, scale, shift = _pre_stats(agg, h, loop_ws[l], biases[l],
                                       gammas[l], betas[l])

    outpre, scl, shf = _final_linear(pre, scale, shift, lin_w.T,
                                     lin_b.reshape(1, D),
                                     gamma_l.reshape(1, D),
                                     beta_l.reshape(1, D))
    return _normalize(outpre, scl, shf)

# --- scband reference (transcript-rebuilt; emitter-appended) ---
"""Pipeline reference for scband-rel-graph-nn-88399016886801 (READ-ONLY COPY).

The authoritative reference and input builder live on the scoring server;
editing this copy changes nothing except your own understanding.
"""

import jax, jax.numpy as jnp
import numpy as np

N = 10000
E = 320000
D = 128
R = 4
EPS = 1e-5

def _bn(h, gamma, beta):
    mean = jnp.mean(h, axis=0)
    var = jnp.var(h, axis=0)
    return (h - mean) / jnp.sqrt(var + EPS) * gamma + beta

def _conv(x, src, dst, etypes, rel_w, loop_w, bias, gamma, beta):
    # per-relation transform of all nodes: [R, N, D_out]
    hr = jnp.einsum('nd,rde->rne', x, rel_w)
    # gather per-edge message W_{etype} h_src
    msg = hr[etypes, src]
    # sum aggregation to dst (DGL RelGraphConv with norm=None)
    agg = jnp.zeros((x.shape[0], rel_w.shape[2]), x.dtype).at[dst].add(msg)
    h = agg + x @ loop_w + bias
    h = _bn(h, gamma, beta)  # BatchNorm1d (train mode, affine)
    return jax.nn.relu(h)

def setup_inputs(seed: int = 0):
    key = jax.random.key(seed)
    ks = jax.random.split(key, 24)
    s = 1.0 / np.sqrt(D)
    inp = {}
    inp['x'] = jax.random.normal(ks[0], (N, D), dtype=jnp.float32)
    inp['edge_index'] = jax.random.randint(ks[1], (2, E), 0, N, dtype=jnp.int32)
    inp['edge_w'] = jax.random.normal(ks[2], (E, R), dtype=jnp.float32)
    for i in range(3):
        inp['rel_w%d' % i] = jax.random.normal(ks[3 + 5 * i], (R, D, D), dtype=jnp.float32) * s
        inp['loop_w%d' % i] = jax.random.normal(ks[4 + 5 * i], (D, D), dtype=jnp.float32) * s
        inp['bias%d' % i] = jnp.zeros((D,), jnp.float32)
        inp['gamma%d' % i] = jnp.ones((D,), jnp.float32)
        inp['beta%d' % i] = jnp.zeros((D,), jnp.float32)
    inp['lin_w'] = jax.random.normal(ks[18], (D, D), dtype=jnp.float32) * s
    inp['lin_b'] = jnp.zeros((D,), jnp.float32)
    inp['gamma_l'] = jnp.ones((D,), jnp.float32)
    inp['beta_l'] = jnp.zeros((D,), jnp.float32)
    return inp

def reference(x, edge_index, edge_w, rel_w0, loop_w0, bias0, gamma0, beta0, rel_w1, loop_w1, bias1, gamma1, beta1, rel_w2, loop_w2, bias2, gamma2, beta2, lin_w, lin_b, gamma_l, beta_l):
    src = edge_index[0]
    dst = edge_index[1]
    etypes = jnp.argmax(edge_w[:, :R], axis=1)
    h = _conv(x, src, dst, etypes, rel_w0, loop_w0, bias0, gamma0, beta0)
    h = _conv(h, src, dst, etypes, rel_w1, loop_w1, bias1, gamma1, beta1)
    h = _conv(h, src, dst, etypes, rel_w2, loop_w2, bias2, gamma2, beta2)
    out = h @ lin_w.T + lin_b
    out = _bn(out, gamma_l, beta_l)
    return out

if __name__ == "__main__":
    import jax
    _d = setup_inputs()
    print(jax.jit(kernel)(*tuple(_d.values())))

</pallas_src>

<mosaic_0001>
#map = affine_map<(d0, d1) -> (0, 0)>
#map1 = affine_map<(d0, d1) -> (0, 0, 0, 0)>
#map2 = affine_map<(d0, d1) -> (0, 0, 0)>
module attributes {stable_mosaic.version = 14 : i64} {
  func.func @k(%arg0: i32, %arg1: i32, %arg2: memref<40000x128xf32, #tpu.memory_space<hbm>>, %arg3: memref<2x16x125x80xi32, #tpu.memory_space<hbm>>, %arg4: memref<2x16x125x80xi32, #tpu.memory_space<hbm>>, %arg5: memref<2x10240x128xf32, #tpu.memory_space<hbm>>, %arg6: memref<125x80xi32, #tpu.memory_space<vmem>>, %arg7: memref<125x80xi32, #tpu.memory_space<vmem>>, %arg8: memref<80x128xf32, #tpu.memory_space<vmem>>, %arg9: memref<40x128xf32, #tpu.memory_space<vmem>>, %arg10: memref<10240x128xf32, #tpu.memory_space<vmem_shared>>, %arg11: memref<!tpu.dma_semaphore, #tpu.memory_space<semaphore_mem>>) attributes {dimension_semantics = [#tpu.dimension_semantics<core_parallel>, #tpu.dimension_semantics<subcore_parallel>], iteration_bounds = array<i64: 2, 16>, scalar_prefetch = 0 : i64, scratch_operands = 6 : i64, tpu.core_type = #tpu.core_type<sc_vector_subcore>, window_params = [{transform_indices = #map}, {transform_indices = #map1}, {transform_indices = #map1}, {transform_indices = #map2}]} {
    %mul3A = arith.constant 640 : i32
    %mul3A_0 = arith.muli %arg1, %mul3A : i32
    %scan3A = arith.constant 0 : i32
    %scan3A_1 = arith.constant 0 : i32
    %scan3A_2 = arith.constant 320 : i32
    %scan3A_3 = arith.addi %scan3A_1, %scan3A_2 : i32
    %scan3A_4 = arith.constant 1 : i32
    scf.for %scan3A_19 = %scan3A_1 to %scan3A_3 step %scan3A_4  : i32 {
      %broadcast_in_dim3A = arith.constant 0.000000e+00 : f32
      %broadcast_in_dim3A_20 = vector.broadcast %broadcast_in_dim3A : f32 to vector<16xf32>
      %jit3A = arith.constant 8 : i32
      %div3A = arith.divsi %scan3A_19, %jit3A : i32
      %sign3A = arith.constant 0 : i32
      %sign3A_21 = arith.cmpi sgt, %scan3A_19, %sign3A : i32
      %sign3A_22 = arith.extui %sign3A_21 : i1 to i32
      %sign3A_23 = arith.constant 0 : i32
      %sign3A_24 = arith.cmpi slt, %scan3A_19, %sign3A_23 : i32
      %sign3A_25 = arith.extui %sign3A_24 : i1 to i32
      %sign3A_26 = arith.subi %sign3A_22, %sign3A_25 : i32
      %sign3A_27 = arith.constant 0 : i32
      %sign3A_28 = arith.cmpi sgt, %jit3A, %sign3A_27 : i32
      %sign3A_29 = arith.extui %sign3A_28 : i1 to i32
      %sign3A_30 = arith.constant 0 : i32
      %sign3A_31 = arith.cmpi slt, %jit3A, %sign3A_30 : i32
      %sign3A_32 = arith.extui %sign3A_31 : i1 to i32
      %sign3A_33 = arith.subi %sign3A_29, %sign3A_32 : i32
      %ne3A = arith.cmpi ne, %sign3A_26, %sign3A_33 : i32
      %rem3A = arith.remsi %scan3A_19, %jit3A : i32
      %ne3A_34 = arith.constant 0 : i32
      %ne3A_35 = arith.cmpi ne, %rem3A, %ne3A_34 : i32
      %and3A = arith.andi %ne3A, %ne3A_35 : i1
      %sub3A = arith.constant 1 : i32
      %sub3A_36 = arith.subi %div3A, %sub3A : i32
      %select_n3A = arith.select %and3A, %sub3A_36, %div3A : i32
      %jit3A_37 = arith.constant 8 : i32
      %eq3A = arith.constant 0 : i32
      %eq3A_38 = arith.cmpi eq, %jit3A_37, %eq3A : i32
      %jit3A_39 = arith.constant 1 : i32
      %select_n3A_40 = arith.select %eq3A_38, %jit3A_39, %jit3A_37 : i32
      %rem3A_41 = arith.remsi %scan3A_19, %select_n3A_40 : i32
      %ne3A_42 = arith.constant 0 : i32
      %ne3A_43 = arith.cmpi ne, %rem3A_41, %ne3A_42 : i32
      %lt3A = arith.constant 0 : i32
      %lt3A_44 = arith.cmpi slt, %rem3A_41, %lt3A : i32
      %lt3A_45 = arith.constant 0 : i32
      %lt3A_46 = arith.cmpi slt, %select_n3A_40, %lt3A_45 : i32
      %ne3A_47 = arith.xori %lt3A_44, %lt3A_46 : i1
      %and3A_48 = arith.andi %ne3A_47, %ne3A_43 : i1
      %add3A = arith.addi %rem3A_41, %select_n3A_40 : i32
      %select_n3A_49 = arith.select %and3A_48, %add3A, %rem3A_41 : i32
      %mul3A_50 = arith.constant 16 : i32
      %mul3A_51 = arith.muli %select_n3A_49, %mul3A_50 : i32
      %swap3A = arith.index_cast %select_n3A : i32 to index
      %swap3A_52 = arith.index_cast %mul3A_51 : i32 to index
      %swap3A_53 = tpu.vector_load %arg9[%swap3A, %swap3A_52] {strides = array<i32>} : memref<40x128xf32, #tpu.memory_space<vmem>>, vector<1x16xf32>,
      %swap3A_54 = vector.shape_cast %swap3A_53 : vector<1x16xf32> to vector<16xf32>
      %swap3A_55 = vector.shape_cast %broadcast_in_dim3A_20 : vector<16xf32> to vector<1x16xf32>
      tpu.vector_store %arg9[%swap3A, %swap3A_52], %swap3A_55 {strides = array<i32>} : memref<40x128xf32, #tpu.memory_space<vmem>>, vector<1x16xf32>,
    }
    %scan3A_5 = arith.constant 320 : i32
    %scan3A_6 = arith.constant 0 : i32
    %scan3A_7 = arith.constant 0 : i32
    %scan3A_8 = arith.constant 16 : i32
    %scan3A_9 = arith.addi %scan3A_7, %scan3A_8 : i32
    %scan3A_10 = arith.constant 1 : i32
    scf.for %scan3A_19 = %scan3A_7 to %scan3A_9 step %scan3A_10  : i32 {
      %mul3A_20 = arith.constant 40 : i32
      %mul3A_21 = arith.muli %scan3A_19, %mul3A_20 : i32
      %add3A = arith.addi %mul3A_0, %mul3A_21 : i32
      "tpu.region"() ({
        %run_scoped3A = tpu.sem_alloc : memref<!tpu.dma_semaphore, #tpu.memory_space<semaphore_mem>>
        %dma_start3A = arith.constant 0 : i32
        %dma_start3A_22 = tpu.memref_slice %arg10[%add3A, %dma_start3A] : memref<10240x128xf32, #tpu.memory_space<vmem_shared>> -> memref<40x128xf32, #tpu.memory_space<vmem_shared>>
        %dma_start3A_23 = arith.constant 0 : i32
        %dma_start3A_24 = tpu.memref_slice %arg10[%add3A, %dma_start3A_23] : memref<10240x128xf32, #tpu.memory_space<vmem_shared>> -> memref<40x128xf32, #tpu.memory_space<vmem_shared>>
        tpu.enqueue_dma source(%arg9 : memref<40x128xf32, #tpu.memory_space<vmem>>) target(%dma_start3A_24 : memref<40x128xf32, #tpu.memory_space<vmem_shared>>) target_semaphore(%run_scoped3A : memref<!tpu.dma_semaphore, #tpu.memory_space<semaphore_mem>>)
        %dma_wait3A = arith.constant 0 : i32
        %dma_wait3A_25 = tpu.memref_slice %arg10[%add3A, %dma_wait3A] : memref<10240x128xf32, #tpu.memory_space<vmem_shared>> -> memref<40x128xf32, #tpu.memory_space<vmem_shared>>
        %dma_wait3A_26 = arith.constant 0 : i32
        %dma_wait3A_27 = tpu.memref_slice %arg10[%add3A, %dma_wait3A_26] : memref<10240x128xf32, #tpu.memory_space<vmem_shared>> -> memref<40x128xf32, #tpu.memory_space<vmem_shared>>
        tpu.wait_dma2 semaphore(%run_scoped3A : memref<!tpu.dma_semaphore, #tpu.memory_space<semaphore_mem>>) src(%arg9 : memref<40x128xf32, #tpu.memory_space<vmem>>) dst(%dma_wait3A_27 : memref<40x128xf32, #tpu.memory_space<vmem_shared>>)
        tpu.yield
      }) : () -> ()
    }
    %scan3A_11 = arith.constant 16 : i32
    "tpu.region"() ({
      %run_scoped3A = tpu.sem_alloc : memref<!tpu.dma_semaphore, #tpu.memory_space<semaphore_mem>>
      %dma_start3A = arith.constant 0 : i32
      %dma_start3A_19 = arith.constant 0 : i32
      %dma_start3A_20 = tpu.memref_slice %arg3[%arg0, %arg1, %dma_start3A, %dma_start3A_19] : memref<2x16x125x80xi32, #tpu.memory_space<hbm>> -> memref<1x1x125x80xi32, #tpu.memory_space<hbm>>
      %dma_start3A_21 = tpu.memref_squeeze %dma_start3A_20 : memref<1x1x125x80xi32, #tpu.memory_space<hbm>> -> memref<125x80xi32, #tpu.memory_space<hbm>>
      %dma_start3A_22 = arith.constant 0 : i32
      %dma_start3A_23 = arith.constant 0 : i32
      %dma_start3A_24 = tpu.memref_slice %arg3[%arg0, %arg1, %dma_start3A_22, %dma_start3A_23] : memref<2x16x125x80xi32, #tpu.memory_space<hbm>> -> memref<1x1x125x80xi32, #tpu.memory_space<hbm>>
      %dma_start3A_25 = tpu.memref_squeeze %dma_start3A_24 : memref<1x1x125x80xi32, #tpu.memory_space<hbm>> -> memref<125x80xi32, #tpu.memory_space<hbm>>
      tpu.enqueue_dma source(%dma_start3A_25 : memref<125x80xi32, #tpu.memory_space<hbm>>) target(%arg6 : memref<125x80xi32, #tpu.memory_space<vmem>>) target_semaphore(%run_scoped3A : memref<!tpu.dma_semaphore, #tpu.memory_space<semaphore_mem>>)
      %dma_wait3A = arith.constant 0 : i32
      %dma_wait3A_26 = arith.constant 0 : i32
      %dma_wait3A_27 = tpu.memref_slice %arg3[%arg0, %arg1, %dma_wait3A, %dma_wait3A_26] : memref<2x16x125x80xi32, #tpu.memory_space<hbm>> -> memref<1x1x125x80xi32, #tpu.memory_space<hbm>>
      %dma_wait3A_28 = tpu.memref_squeeze %dma_wait3A_27 : memref<1x1x125x80xi32, #tpu.memory_space<hbm>> -> memref<125x80xi32, #tpu.memory_space<hbm>>
      %dma_wait3A_29 = arith.constant 0 : i32
      %dma_wait3A_30 = arith.constant 0 : i32
      %dma_wait3A_31 = tpu.memref_slice %arg3[%arg0, %arg1, %dma_wait3A_29, %dma_wait3A_30] : memref<2x16x125x80xi32, #tpu.memory_space<hbm>> -> memref<1x1x125x80xi32, #tpu.memory_space<hbm>>
      %dma_wait3A_32 = tpu.memref_squeeze %dma_wait3A_31 : memref<1x1x125x80xi32, #tpu.memory_space<hbm>> -> memref<125x80xi32, #tpu.memory_space<hbm>>
      tpu.wait_dma2 semaphore(%run_scoped3A : memref<!tpu.dma_semaphore, #tpu.memory_space<semaphore_mem>>) src(%dma_wait3A_32 : memref<125x80xi32, #tpu.memory_space<hbm>>) dst(%arg6 : memref<125x80xi32, #tpu.memory_space<vmem>>)
      tpu.yield
    }) : () -> ()
    "tpu.region"() ({
      %run_scoped3A = tpu.sem_alloc : memref<!tpu.dma_semaphore, #tpu.memory_space<semaphore_mem>>
      %dma_start3A = arith.constant 0 : i32
      %dma_start3A_19 = arith.constant 0 : i32
      %dma_start3A_20 = tpu.memref_slice %arg4[%arg0, %arg1, %dma_start3A, %dma_start3A_19] : memref<2x16x125x80xi32, #tpu.memory_space<hbm>> -> memref<1x1x125x80xi32, #tpu.memory_space<hbm>>
      %dma_start3A_21 = tpu.memref_squeeze %dma_start3A_20 : memref<1x1x125x80xi32, #tpu.memory_space<hbm>> -> memref<125x80xi32, #tpu.memory_space<hbm>>
      %dma_start3A_22 = arith.constant 0 : i32
      %dma_start3A_23 = arith.constant 0 : i32
      %dma_start3A_24 = tpu.memref_slice %arg4[%arg0, %arg1, %dma_start3A_22, %dma_start3A_23] : memref<2x16x125x80xi32, #tpu.memory_space<hbm>> -> memref<1x1x125x80xi32, #tpu.memory_space<hbm>>
      %dma_start3A_25 = tpu.memref_squeeze %dma_start3A_24 : memref<1x1x125x80xi32, #tpu.memory_space<hbm>> -> memref<125x80xi32, #tpu.memory_space<hbm>>
      tpu.enqueue_dma source(%dma_start3A_25 : memref<125x80xi32, #tpu.memory_space<hbm>>) target(%arg7 : memref<125x80xi32, #tpu.memory_space<vmem>>) target_semaphore(%run_scoped3A : memref<!tpu.dma_semaphore, #tpu.memory_space<semaphore_mem>>)
      %dma_wait3A = arith.constant 0 : i32
      %dma_wait3A_26 = arith.constant 0 : i32
      %dma_wait3A_27 = tpu.memref_slice %arg4[%arg0, %arg1, %dma_wait3A, %dma_wait3A_26] : memref<2x16x125x80xi32, #tpu.memory_space<hbm>> -> memref<1x1x125x80xi32, #tpu.memory_space<hbm>>
      %dma_wait3A_28 = tpu.memref_squeeze %dma_wait3A_27 : memref<1x1x125x80xi32, #tpu.memory_space<hbm>> -> memref<125x80xi32, #tpu.memory_space<hbm>>
      %dma_wait3A_29 = arith.constant 0 : i32
      %dma_wait3A_30 = arith.constant 0 : i32
      %dma_wait3A_31 = tpu.memref_slice %arg4[%arg0, %arg1, %dma_wait3A_29, %dma_wait3A_30] : memref<2x16x125x80xi32, #tpu.memory_space<hbm>> -> memref<1x1x125x80xi32, #tpu.memory_space<hbm>>
      %dma_wait3A_32 = tpu.memref_squeeze %dma_wait3A_31 : memref<1x1x125x80xi32, #tpu.memory_space<hbm>> -> memref<125x80xi32, #tpu.memory_space<hbm>>
      tpu.wait_dma2 semaphore(%run_scoped3A : memref<!tpu.dma_semaphore, #tpu.memory_space<semaphore_mem>>) src(%dma_wait3A_32 : memref<125x80xi32, #tpu.memory_space<hbm>>) dst(%arg7 : memref<125x80xi32, #tpu.memory_space<vmem>>)
      tpu.yield
    }) : () -> ()
    %barrier3A = arith.constant 0 : index
    tpu.barrier barrier_id(%barrier3A)
    %scan3A_12 = arith.constant 0 : i32
    %scan3A_13 = arith.constant 0 : i32
    %scan3A_14 = arith.constant 125 : i32
    %scan3A_15 = arith.addi %scan3A_13, %scan3A_14 : i32
    %scan3A_16 = arith.constant 1 : i32
    scf.for %scan3A_19 = %scan3A_13 to %scan3A_15 step %scan3A_16  : i32 {
      %dma_start3A = arith.constant 0 : i32
      %dma_start3A_20 = tpu.memref_slice %arg6[%scan3A_19, %dma_start3A] : memref<125x80xi32, #tpu.memory_space<vmem>> -> memref<1x80xi32, #tpu.memory_space<vmem>>
      %dma_start3A_21 = tpu.memref_squeeze %dma_start3A_20 : memref<1x80xi32, #tpu.memory_space<vmem>> -> memref<80xi32, #tpu.memory_space<vmem>>
      %dma_start3A_22 = arith.constant 0 : i32
      %dma_start3A_23 = arith.constant 0 : i32
      %dma_start3A_24 = tpu.memref_slice %arg2[%dma_start3A_22, %dma_start3A_23] : memref<40000x128xf32, #tpu.memory_space<hbm>> -> memref<40000x128xf32, #tpu.memory_space<hbm>>
      tpu.enqueue_indirect_dma source(%dma_start3A_24 : memref<40000x128xf32, #tpu.memory_space<hbm>>) target(%arg8 : memref<80x128xf32, #tpu.memory_space<vmem>>) offsets(%dma_start3A_21 : memref<80xi32, #tpu.memory_space<vmem>>) semaphore(%arg11 : memref<!tpu.dma_semaphore, #tpu.memory_space<semaphore_mem>>)
      %dma_wait3A = arith.constant 0 : i32
      %dma_wait3A_25 = tpu.memref_slice %arg6[%scan3A_19, %dma_wait3A] : memref<125x80xi32, #tpu.memory_space<vmem>> -> memref<1x80xi32, #tpu.memory_space<vmem>>
      %dma_wait3A_26 = tpu.memref_squeeze %dma_wait3A_25 : memref<1x80xi32, #tpu.memory_space<vmem>> -> memref<80xi32, #tpu.memory_space<vmem>>
      %dma_wait3A_27 = arith.constant 0 : i32
      %dma_wait3A_28 = arith.constant 0 : i32
      %dma_wait3A_29 = tpu.memref_slice %arg2[%dma_wait3A_27, %dma_wait3A_28] : memref<40000x128xf32, #tpu.memory_space<hbm>> -> memref<40000x128xf32, #tpu.memory_space<hbm>>
      tpu.wait_indirect_dma semaphore(%arg11 : memref<!tpu.dma_semaphore, #tpu.memory_space<semaphore_mem>>) src(%dma_wait3A_29 : memref<40000x128xf32, #tpu.memory_space<hbm>>) dst(%arg8 : memref<80x128xf32, #tpu.memory_space<vmem>>)
      "tpu.region"() ({
        %run_scoped3A = tpu.sem_alloc : memref<!tpu.dma_semaphore, #tpu.memory_space<semaphore_mem>>
        %dma_start3A_30 = arith.constant 0 : i32
        %dma_start3A_31 = tpu.memref_slice %arg7[%scan3A_19, %dma_start3A_30] : memref<125x80xi32, #tpu.memory_space<vmem>> -> memref<1x80xi32, #tpu.memory_space<vmem>>
        %dma_start3A_32 = tpu.memref_squeeze %dma_start3A_31 : memref<1x80xi32, #tpu.memory_space<vmem>> -> memref<80xi32, #tpu.memory_space<vmem>>
        %dma_start3A_33 = arith.constant 0 : i32
        %dma_start3A_34 = arith.constant 0 : i32
        %dma_start3A_35 = tpu.memref_slice %arg10[%dma_start3A_33, %dma_start3A_34] : memref<10240x128xf32, #tpu.memory_space<vmem_shared>> -> memref<10240x128xf32, #tpu.memory_space<vmem_shared>>
        tpu.enqueue_indirect_dma source(%arg8 : memref<80x128xf32, #tpu.memory_space<vmem>>) target(%dma_start3A_35 : memref<10240x128xf32, #tpu.memory_space<vmem_shared>>) offsets(%dma_start3A_32 : memref<80xi32, #tpu.memory_space<vmem>>) semaphore(%run_scoped3A : memref<!tpu.dma_semaphore, #tpu.memory_space<semaphore_mem>>) {add = true}
        %dma_wait3A_36 = arith.constant 0 : i32
        %dma_wait3A_37 = tpu.memref_slice %arg7[%scan3A_19, %dma_wait3A_36] : memref<125x80xi32, #tpu.memory_space<vmem>> -> memref<1x80xi32, #tpu.memory_space<vmem>>
        %dma_wait3A_38 = tpu.memref_squeeze %dma_wait3A_37 : memref<1x80xi32, #tpu.memory_space<vmem>> -> memref<80xi32, #tpu.memory_space<vmem>>
        %dma_wait3A_39 = arith.constant 0 : i32
        %dma_wait3A_40 = arith.constant 0 : i32
        %dma_wait3A_41 = tpu.memref_slice %arg10[%dma_wait3A_39, %dma_wait3A_40] : memref<10240x128xf32, #tpu.memory_space<vmem_shared>> -> memref<10240x128xf32, #tpu.memory_space<vmem_shared>>
        tpu.wait_indirect_dma semaphore(%run_scoped3A : memref<!tpu.dma_semaphore, #tpu.memory_space<semaphore_mem>>) src(%arg8 : memref<80x128xf32, #tpu.memory_space<vmem>>) dst(%dma_wait3A_41 : memref<10240x128xf32, #tpu.memory_space<vmem_shared>>)
        tpu.yield
      }) : () -> ()
    }
    %scan3A_17 = arith.constant 125 : i32
    %barrier3A_18 = arith.constant 0 : index
    tpu.barrier barrier_id(%barrier3A_18)
    "tpu.region"() ({
      %run_scoped3A = tpu.sem_alloc : memref<!tpu.dma_semaphore, #tpu.memory_space<semaphore_mem>>
      %dma_start3A = arith.constant 0 : i32
      %dma_start3A_19 = tpu.memref_slice %arg5[%arg0, %mul3A_0, %dma_start3A] : memref<2x10240x128xf32, #tpu.memory_space<hbm>> -> memref<1x640x128xf32, #tpu.memory_space<hbm>>
      %dma_start3A_20 = tpu.memref_squeeze %dma_start3A_19 : memref<1x640x128xf32, #tpu.memory_space<hbm>> -> memref<640x128xf32, #tpu.memory_space<hbm>>
      %dma_start3A_21 = arith.constant 0 : i32
      %dma_start3A_22 = tpu.memref_slice %arg10[%mul3A_0, %dma_start3A_21] : memref<10240x128xf32, #tpu.memory_space<vmem_shared>> -> memref<640x128xf32, #tpu.memory_space<vmem_shared>>
      tpu.enqueue_dma source(%dma_start3A_22 : memref<640x128xf32, #tpu.memory_space<vmem_shared>>) target(%dma_start3A_20 : memref<640x128xf32, #tpu.memory_space<hbm>>) target_semaphore(%run_scoped3A : memref<!tpu.dma_semaphore, #tpu.memory_space<semaphore_mem>>)
      %dma_wait3A = arith.constant 0 : i32
      %dma_wait3A_23 = tpu.memref_slice %arg5[%arg0, %mul3A_0, %dma_wait3A] : memref<2x10240x128xf32, #tpu.memory_space<hbm>> -> memref<1x640x128xf32, #tpu.memory_space<hbm>>
      %dma_wait3A_24 = tpu.memref_squeeze %dma_wait3A_23 : memref<1x640x128xf32, #tpu.memory_space<hbm>> -> memref<640x128xf32, #tpu.memory_space<hbm>>
      %dma_wait3A_25 = arith.constant 0 : i32
      %dma_wait3A_26 = tpu.memref_slice %arg10[%mul3A_0, %dma_wait3A_25] : memref<10240x128xf32, #tpu.memory_space<vmem_shared>> -> memref<640x128xf32, #tpu.memory_space<vmem_shared>>
      tpu.wait_dma2 semaphore(%run_scoped3A : memref<!tpu.dma_semaphore, #tpu.memory_space<semaphore_mem>>) src(%dma_wait3A_26 : memref<640x128xf32, #tpu.memory_space<vmem_shared>>) dst(%dma_wait3A_24 : memref<640x128xf32, #tpu.memory_space<hbm>>)
      tpu.yield
    }) : () -> ()
    return
  }
}

#map = affine_map<(d0, d1) -> (0, 0)>
#map1 = affine_map<(d0, d1) -> (0, 0, 0, 0)>
#map2 = affine_map<(d0, d1) -> (0, 0, 0)>
module attributes {stable_mosaic.version = 14 : i64} {
  func.func @k(%arg0: i32, %arg1: i32, %arg2: memref<40000x128xf32, #tpu.memory_space<hbm>>, %arg3: memref<2x16x125x80xi32, #tpu.memory_space<hbm>>, %arg4: memref<2x16x125x80xi32, #tpu.memory_space<hbm>>, %arg5: memref<2x10240x128xf32, #tpu.memory_space<hbm>>, %arg6: memref<125x80xi32, #tpu.memory_space<vmem>>, %arg7: memref<125x80xi32, #tpu.memory_space<vmem>>, %arg8: memref<80x128xf32, #tpu.memory_space<vmem>>, %arg9: memref<40x128xf32, #tpu.memory_space<vmem>>, %arg10: memref<10240x128xf32, #tpu.memory_space<vmem_shared>>, %arg11: memref<!tpu.dma_semaphore, #tpu.memory_space<semaphore_mem>>) attributes {dimension_semantics = [#tpu.dimension_semantics<core_parallel>, #tpu.dimension_semantics<subcore_parallel>], iteration_bounds = array<i64: 2, 16>, scalar_prefetch = 0 : i64, scratch_operands = 6 : i64, tpu.core_type = #tpu.core_type<sc_vector_subcore>, window_params = [{transform_indices = #map}, {transform_indices = #map1}, {transform_indices = #map1}, {transform_indices = #map2}]} {
    %mul3A = arith.constant 640 : i32
    %mul3A_0 = arith.muli %arg1, %mul3A : i32
    %scan3A = arith.constant 0 : i32
    %scan3A_1 = arith.constant 0 : i32
    %scan3A_2 = arith.constant 320 : i32
    %scan3A_3 = arith.addi %scan3A_1, %scan3A_2 : i32
    %scan3A_4 = arith.constant 1 : i32
    scf.for %scan3A_19 = %scan3A_1 to %scan3A_3 step %scan3A_4  : i32 {
      %broadcast_in_dim3A = arith.constant 0.000000e+00 : f32
      %broadcast_in_dim3A_20 = vector.broadcast %broadcast_in_dim3A : f32 to vector<16xf32>
      %jit3A = arith.constant 8 : i32
      %div3A = arith.divsi %scan3A_19, %jit3A : i32
      %sign3A = arith.constant 0 : i32
      %sign3A_21 = arith.cmpi sgt, %scan3A_19, %sign3A : i32
      %sign3A_22 = arith.extui %sign3A_21 : i1 to i32
      %sign3A_23 = arith.constant 0 : i32
      %sign3A_24 = arith.cmpi slt, %scan3A_19, %sign3A_23 : i32
      %sign3A_25 = arith.extui %sign3A_24 : i1 to i32
      %sign3A_26 = arith.subi %sign3A_22, %sign3A_25 : i32
      %sign3A_27 = arith.constant 0 : i32
      %sign3A_28 = arith.cmpi sgt, %jit3A, %sign3A_27 : i32
      %sign3A_29 = arith.extui %sign3A_28 : i1 to i32
      %sign3A_30 = arith.constant 0 : i32
      %sign3A_31 = arith.cmpi slt, %jit3A, %sign3A_30 : i32
      %sign3A_32 = arith.extui %sign3A_31 : i1 to i32
      %sign3A_33 = arith.subi %sign3A_29, %sign3A_32 : i32
      %ne3A = arith.cmpi ne, %sign3A_26, %sign3A_33 : i32
      %rem3A = arith.remsi %scan3A_19, %jit3A : i32
      %ne3A_34 = arith.constant 0 : i32
      %ne3A_35 = arith.cmpi ne, %rem3A, %ne3A_34 : i32
      %and3A = arith.andi %ne3A, %ne3A_35 : i1
      %sub3A = arith.constant 1 : i32
      %sub3A_36 = arith.subi %div3A, %sub3A : i32
      %select_n3A = arith.select %and3A, %sub3A_36, %div3A : i32
      %jit3A_37 = arith.constant 8 : i32
      %eq3A = arith.constant 0 : i32
      %eq3A_38 = arith.cmpi eq, %jit3A_37, %eq3A : i32
      %jit3A_39 = arith.constant 1 : i32
      %select_n3A_40 = arith.select %eq3A_38, %jit3A_39, %jit3A_37 : i32
      %rem3A_41 = arith.remsi %scan3A_19, %select_n3A_40 : i32
      %ne3A_42 = arith.constant 0 : i32
      %ne3A_43 = arith.cmpi ne, %rem3A_41, %ne3A_42 : i32
      %lt3A = arith.constant 0 : i32
      %lt3A_44 = arith.cmpi slt, %rem3A_41, %lt3A : i32
      %lt3A_45 = arith.constant 0 : i32
      %lt3A_46 = arith.cmpi slt, %select_n3A_40, %lt3A_45 : i32
      %ne3A_47 = arith.xori %lt3A_44, %lt3A_46 : i1
      %and3A_48 = arith.andi %ne3A_47, %ne3A_43 : i1
      %add3A = arith.addi %rem3A_41, %select_n3A_40 : i32
      %select_n3A_49 = arith.select %and3A_48, %add3A, %rem3A_41 : i32
      %mul3A_50 = arith.constant 16 : i32
      %mul3A_51 = arith.muli %select_n3A_49, %mul3A_50 : i32
      %swap3A = arith.index_cast %select_n3A : i32 to index
      %swap3A_52 = arith.index_cast %mul3A_51 : i32 to index
      %swap3A_53 = tpu.vector_load %arg9[%swap3A, %swap3A_52] {strides = array<i32>} : memref<40x128xf32, #tpu.memory_space<vmem>>, vector<1x16xf32>,
      %swap3A_54 = vector.shape_cast %swap3A_53 : vector<1x16xf32> to vector<16xf32>
      %swap3A_55 = vector.shape_cast %broadcast_in_dim3A_20 : vector<16xf32> to vector<1x16xf32>
      tpu.vector_store %arg9[%swap3A, %swap3A_52], %swap3A_55 {strides = array<i32>} : memref<40x128xf32, #tpu.memory_space<vmem>>, vector<1x16xf32>,
    }
    %scan3A_5 = arith.constant 320 : i32
    %scan3A_6 = arith.constant 0 : i32
    %scan3A_7 = arith.constant 0 : i32
    %scan3A_8 = arith.constant 16 : i32
    %scan3A_9 = arith.addi %scan3A_7, %scan3A_8 : i32
    %scan3A_10 = arith.constant 1 : i32
    scf.for %scan3A_19 = %scan3A_7 to %scan3A_9 step %scan3A_10  : i32 {
      %mul3A_20 = arith.constant 40 : i32
      %mul3A_21 = arith.muli %scan3A_19, %mul3A_20 : i32
      %add3A = arith.addi %mul3A_0, %mul3A_21 : i32
      "tpu.region"() ({
        %run_scoped3A = tpu.sem_alloc : memref<!tpu.dma_semaphore, #tpu.memory_space<semaphore_mem>>
        %dma_start3A = arith.constant 0 : i32
        %dma_start3A_22 = tpu.memref_slice %arg10[%add3A, %dma_start3A] : memref<10240x128xf32, #tpu.memory_space<vmem_shared>> -> memref<40x128xf32, #tpu.memory_space<vmem_shared>>
        %dma_start3A_23 = arith.constant 0 : i32
        %dma_start3A_24 = tpu.memref_slice %arg10[%add3A, %dma_start3A_23] : memref<10240x128xf32, #tpu.memory_space<vmem_shared>> -> memref<40x128xf32, #tpu.memory_space<vmem_shared>>
        tpu.enqueue_dma source(%arg9 : memref<40x128xf32, #tpu.memory_space<vmem>>) target(%dma_start3A_24 : memref<40x128xf32, #tpu.memory_space<vmem_shared>>) target_semaphore(%run_scoped3A : memref<!tpu.dma_semaphore, #tpu.memory_space<semaphore_mem>>)
        %dma_wait3A = arith.constant 0 : i32
        %dma_wait3A_25 = tpu.memref_slice %arg10[%add3A, %dma_wait3A] : memref<10240x128xf32, #tpu.memory_space<vmem_shared>> -> memref<40x128xf32, #tpu.memory_space<vmem_shared>>
        %dma_wait3A_26 = arith.constant 0 : i32
        %dma_wait3A_27 = tpu.memref_slice %arg10[%add3A, %dma_wait3A_26] : memref<10240x128xf32, #tpu.memory_space<vmem_shared>> -> memref<40x128xf32, #tpu.memory_space<vmem_shared>>
        tpu.wait_dma2 semaphore(%run_scoped3A : memref<!tpu.dma_semaphore, #tpu.memory_space<semaphore_mem>>) src(%arg9 : memref<40x128xf32, #tpu.memory_space<vmem>>) dst(%dma_wait3A_27 : memref<40x128xf32, #tpu.memory_space<vmem_shared>>)
        tpu.yield
      }) : () -> ()
    }
    %scan3A_11 = arith.constant 16 : i32
    "tpu.region"() ({
      %run_scoped3A = tpu.sem_alloc : memref<!tpu.dma_semaphore, #tpu.memory_space<semaphore_mem>>
      %dma_start3A = arith.constant 0 : i32
      %dma_start3A_19 = arith.constant 0 : i32
      %dma_start3A_20 = tpu.memref_slice %arg3[%arg0, %arg1, %dma_start3A, %dma_start3A_19] : memref<2x16x125x80xi32, #tpu.memory_space<hbm>> -> memref<1x1x125x80xi32, #tpu.memory_space<hbm>>
      %dma_start3A_21 = tpu.memref_squeeze %dma_start3A_20 : memref<1x1x125x80xi32, #tpu.memory_space<hbm>> -> memref<125x80xi32, #tpu.memory_space<hbm>>
      %dma_start3A_22 = arith.constant 0 : i32
      %dma_start3A_23 = arith.constant 0 : i32
      %dma_start3A_24 = tpu.memref_slice %arg3[%arg0, %arg1, %dma_start3A_22, %dma_start3A_23] : memref<2x16x125x80xi32, #tpu.memory_space<hbm>> -> memref<1x1x125x80xi32, #tpu.memory_space<hbm>>
      %dma_start3A_25 = tpu.memref_squeeze %dma_start3A_24 : memref<1x1x125x80xi32, #tpu.memory_space<hbm>> -> memref<125x80xi32, #tpu.memory_space<hbm>>
      tpu.enqueue_dma source(%dma_start3A_25 : memref<125x80xi32, #tpu.memory_space<hbm>>) target(%arg6 : memref<125x80xi32, #tpu.memory_space<vmem>>) target_semaphore(%run_scoped3A : memref<!tpu.dma_semaphore, #tpu.memory_space<semaphore_mem>>)
      %dma_wait3A = arith.constant 0 : i32
      %dma_wait3A_26 = arith.constant 0 : i32
      %dma_wait3A_27 = tpu.memref_slice %arg3[%arg0, %arg1, %dma_wait3A, %dma_wait3A_26] : memref<2x16x125x80xi32, #tpu.memory_space<hbm>> -> memref<1x1x125x80xi32, #tpu.memory_space<hbm>>
      %dma_wait3A_28 = tpu.memref_squeeze %dma_wait3A_27 : memref<1x1x125x80xi32, #tpu.memory_space<hbm>> -> memref<125x80xi32, #tpu.memory_space<hbm>>
      %dma_wait3A_29 = arith.constant 0 : i32
      %dma_wait3A_30 = arith.constant 0 : i32
      %dma_wait3A_31 = tpu.memref_slice %arg3[%arg0, %arg1, %dma_wait3A_29, %dma_wait3A_30] : memref<2x16x125x80xi32, #tpu.memory_space<hbm>> -> memref<1x1x125x80xi32, #tpu.memory_space<hbm>>
      %dma_wait3A_32 = tpu.memref_squeeze %dma_wait3A_31 : memref<1x1x125x80xi32, #tpu.memory_space<hbm>> -> memref<125x80xi32, #tpu.memory_space<hbm>>
      tpu.wait_dma2 semaphore(%run_scoped3A : memref<!tpu.dma_semaphore, #tpu.memory_space<semaphore_mem>>) src(%dma_wait3A_32 : memref<125x80xi32, #tpu.memory_space<hbm>>) dst(%arg6 : memref<125x80xi32, #tpu.memory_space<vmem>>)
      tpu.yield
    }) : () -> ()
    "tpu.region"() ({
      %run_scoped3A = tpu.sem_alloc : memref<!tpu.dma_semaphore, #tpu.memory_space<semaphore_mem>>
      %dma_start3A = arith.constant 0 : i32
      %dma_start3A_19 = arith.constant 0 : i32
      %dma_start3A_20 = tpu.memref_slice %arg4[%arg0, %arg1, %dma_start3A, %dma_start3A_19] : memref<2x16x125x80xi32, #tpu.memory_space<hbm>> -> memref<1x1x125x80xi32, #tpu.memory_space<hbm>>
      %dma_start3A_21 = tpu.memref_squeeze %dma_start3A_20 : memref<1x1x125x80xi32, #tpu.memory_space<hbm>> -> memref<125x80xi32, #tpu.memory_space<hbm>>
      %dma_start3A_22 = arith.constant 0 : i32
      %dma_start3A_23 = arith.constant 0 : i32
      %dma_start3A_24 = tpu.memref_slice %arg4[%arg0, %arg1, %dma_start3A_22, %dma_start3A_23] : memref<2x16x125x80xi32, #tpu.memory_space<hbm>> -> memref<1x1x125x80xi32, #tpu.memory_space<hbm>>
      %dma_start3A_25 = tpu.memref_squeeze %dma_start3A_24 : memref<1x1x125x80xi32, #tpu.memory_space<hbm>> -> memref<125x80xi32, #tpu.memory_space<hbm>>
      tpu.enqueue_dma source(%dma_start3A_25 : memref<125x80xi32, #tpu.memory_space<hbm>>) target(%arg7 : memref<125x80xi32, #tpu.memory_space<vmem>>) target_semaphore(%run_scoped3A : memref<!tpu.dma_semaphore, #tpu.memory_space<semaphore_mem>>)
      %dma_wait3A = arith.constant 0 : i32
      %dma_wait3A_26 = arith.constant 0 : i32
      %dma_wait3A_27 = tpu.memref_slice %arg4[%arg0, %arg1, %dma_wait3A, %dma_wait3A_26] : memref<2x16x125x80xi32, #tpu.memory_space<hbm>> -> memref<1x1x125x80xi32, #tpu.memory_space<hbm>>
      %dma_wait3A_28 = tpu.memref_squeeze %dma_wait3A_27 : memref<1x1x125x80xi32, #tpu.memory_space<hbm>> -> memref<125x80xi32, #tpu.memory_space<hbm>>
      %dma_wait3A_29 = arith.constant 0 : i32
      %dma_wait3A_30 = arith.constant 0 : i32
      %dma_wait3A_31 = tpu.memref_slice %arg4[%arg0, %arg1, %dma_wait3A_29, %dma_wait3A_30] : memref<2x16x125x80xi32, #tpu.memory_space<hbm>> -> memref<1x1x125x80xi32, #tpu.memory_space<hbm>>
      %dma_wait3A_32 = tpu.memref_squeeze %dma_wait3A_31 : memref<1x1x125x80xi32, #tpu.memory_space<hbm>> -> memref<125x80xi32, #tpu.memory_space<hbm>>
      tpu.wait_dma2 semaphore(%run_scoped3A : memref<!tpu.dma_semaphore, #tpu.memory_space<semaphore_mem>>) src(%dma_wait3A_32 : memref<125x80xi32, #tpu.memory_space<hbm>>) dst(%arg7 : memref<125x80xi32, #tpu.memory_space<vmem>>)
      tpu.yield
    }) : () -> ()
    %barrier3A = arith.constant 0 : index
    tpu.barrier barrier_id(%barrier3A)
    %scan3A_12 = arith.constant 0 : i32
    %scan3A_13 = arith.constant 0 : i32
    %scan3A_14 = arith.constant 125 : i32
    %scan3A_15 = arith.addi %scan3A_13, %scan3A_14 : i32
    %scan3A_16 = arith.constant 1 : i32
    scf.for %scan3A_19 = %scan3A_13 to %scan3A_15 step %scan3A_16  : i32 {
      %dma_start3A = arith.constant 0 : i32
      %dma_start3A_20 = tpu.memref_slice %arg6[%scan3A_19, %dma_start3A] : memref<125x80xi32, #tpu.memory_space<vmem>> -> memref<1x80xi32, #tpu.memory_space<vmem>>
      %dma_start3A_21 = tpu.memref_squeeze %dma_start3A_20 : memref<1x80xi32, #tpu.memory_space<vmem>> -> memref<80xi32, #tpu.memory_space<vmem>>
      %dma_start3A_22 = arith.constant 0 : i32
      %dma_start3A_23 = arith.constant 0 : i32
      %dma_start3A_24 = tpu.memref_slice %arg2[%dma_start3A_22, %dma_start3A_23] : memref<40000x128xf32, #tpu.memory_space<hbm>> -> memref<40000x128xf32, #tpu.memory_space<hbm>>
      tpu.enqueue_indirect_dma source(%dma_start3A_24 : memref<40000x128xf32, #tpu.memory_space<hbm>>) target(%arg8 : memref<80x128xf32, #tpu.memory_space<vmem>>) offsets(%dma_start3A_21 : memref<80xi32, #tpu.memory_space<vmem>>) semaphore(%arg11 : memref<!tpu.dma_semaphore, #tpu.memory_space<semaphore_mem>>)
      %dma_wait3A = arith.constant 0 : i32
      %dma_wait3A_25 = tpu.memref_slice %arg6[%scan3A_19, %dma_wait3A] : memref<125x80xi32, #tpu.memory_space<vmem>> -> memref<1x80xi32, #tpu.memory_space<vmem>>
      %dma_wait3A_26 = tpu.memref_squeeze %dma_wait3A_25 : memref<1x80xi32, #tpu.memory_space<vmem>> -> memref<80xi32, #tpu.memory_space<vmem>>
      %dma_wait3A_27 = arith.constant 0 : i32
      %dma_wait3A_28 = arith.constant 0 : i32
      %dma_wait3A_29 = tpu.memref_slice %arg2[%dma_wait3A_27, %dma_wait3A_28] : memref<40000x128xf32, #tpu.memory_space<hbm>> -> memref<40000x128xf32, #tpu.memory_space<hbm>>
      tpu.wait_indirect_dma semaphore(%arg11 : memref<!tpu.dma_semaphore, #tpu.memory_space<semaphore_mem>>) src(%dma_wait3A_29 : memref<40000x128xf32, #tpu.memory_space<hbm>>) dst(%arg8 : memref<80x128xf32, #tpu.memory_space<vmem>>)
      "tpu.region"() ({
        %run_scoped3A = tpu.sem_alloc : memref<!tpu.dma_semaphore, #tpu.memory_space<semaphore_mem>>
        %dma_start3A_30 = arith.constant 0 : i32
        %dma_start3A_31 = tpu.memref_slice %arg7[%scan3A_19, %dma_start3A_30] : memref<125x80xi32, #tpu.memory_space<vmem>> -> memref<1x80xi32, #tpu.memory_space<vmem>>
        %dma_start3A_32 = tpu.memref_squeeze %dma_start3A_31 : memref<1x80xi32, #tpu.memory_space<vmem>> -> memref<80xi32, #tpu.memory_space<vmem>>
        %dma_start3A_33 = arith.constant 0 : i32
        %dma_start3A_34 = arith.constant 0 : i32
        %dma_start3A_35 = tpu.memref_slice %arg10[%dma_start3A_33, %dma_start3A_34] : memref<10240x128xf32, #tpu.memory_space<vmem_shared>> -> memref<10240x128xf32, #tpu.memory_space<vmem_shared>>
        tpu.enqueue_indirect_dma source(%arg8 : memref<80x128xf32, #tpu.memory_space<vmem>>) target(%dma_start3A_35 : memref<10240x128xf32, #tpu.memory_space<vmem_shared>>) offsets(%dma_start3A_32 : memref<80xi32, #tpu.memory_space<vmem>>) semaphore(%run_scoped3A : memref<!tpu.dma_semaphore, #tpu.memory_space<semaphore_mem>>) {add = true}
        %dma_wait3A_36 = arith.constant 0 : i32
        %dma_wait3A_37 = tpu.memref_slice %arg7[%scan3A_19, %dma_wait3A_36] : memref<125x80xi32, #tpu.memory_space<vmem>> -> memref<1x80xi32, #tpu.memory_space<vmem>>
        %dma_wait3A_38 = tpu.memref_squeeze %dma_wait3A_37 : memref<1x80xi32, #tpu.memory_space<vmem>> -> memref<80xi32, #tpu.memory_space<vmem>>
        %dma_wait3A_39 = arith.constant 0 : i32
        %dma_wait3A_40 = arith.constant 0 : i32
        %dma_wait3A_41 = tpu.memref_slice %arg10[%dma_wait3A_39, %dma_wait3A_40] : memref<10240x128xf32, #tpu.memory_space<vmem_shared>> -> memref<10240x128xf32, #tpu.memory_space<vmem_shared>>
        tpu.wait_indirect_dma semaphore(%run_scoped3A : memref<!tpu.dma_semaphore, #tpu.memory_space<semaphore_mem>>) src(%arg8 : memref<80x128xf32, #tpu.memory_space<vmem>>) dst(%dma_wait3A_41 : memref<10240x128xf32, #tpu.memory_space<vmem_shared>>)
        tpu.yield
      }) : () -> ()
    }
    %scan3A_17 = arith.constant 125 : i32
    %barrier3A_18 = arith.constant 0 : index
    tpu.barrier barrier_id(%barrier3A_18)
    "tpu.region"() ({
      %run_scoped3A = tpu.sem_alloc : memref<!tpu.dma_semaphore, #tpu.memory_space<semaphore_mem>>
      %dma_start3A = arith.constant 0 : i32
      %dma_start3A_19 = tpu.memref_slice %arg5[%arg0, %mul3A_0, %dma_start3A] : memref<2x10240x128xf32, #tpu.memory_space<hbm>> -> memref<1x640x128xf32, #tpu.memory_space<hbm>>
      %dma_start3A_20 = tpu.memref_squeeze %dma_start3A_19 : memref<1x640x128xf32, #tpu.memory_space<hbm>> -> memref<640x128xf32, #tpu.memory_space<hbm>>
      %dma_start3A_21 = arith.constant 0 : i32
      %dma_start3A_22 = tpu.memref_slice %arg10[%mul3A_0, %dma_start3A_21] : memref<10240x128xf32, #tpu.memory_space<vmem_shared>> -> memref<640x128xf32, #tpu.memory_space<vmem_shared>>
      tpu.enqueue_dma source(%dma_start3A_22 : memref<640x128xf32, #tpu.memory_space<vmem_shared>>) target(%dma_start3A_20 : memref<640x128xf32, #tpu.memory_space<hbm>>) target_semaphore(%run_scoped3A : memref<!tpu.dma_semaphore, #tpu.memory_space<semaphore_mem>>)
      %dma_wait3A = arith.constant 0 : i32
      %dma_wait3A_23 = tpu.memref_slice %arg5[%arg0, %mul3A_0, %dma_wait3A] : memref<2x10240x128xf32, #tpu.memory_space<hbm>> -> memref<1x640x128xf32, #tpu.memory_space<hbm>>
      %dma_wait3A_24 = tpu.memref_squeeze %dma_wait3A_23 : memref<1x640x128xf32, #tpu.memory_space<hbm>> -> memref<640x128xf32, #tpu.memory_space<hbm>>
      %dma_wait3A_25 = arith.constant 0 : i32
      %dma_wait3A_26 = tpu.memref_slice %arg10[%mul3A_0, %dma_wait3A_25] : memref<10240x128xf32, #tpu.memory_space<vmem_shared>> -> memref<640x128xf32, #tpu.memory_space<vmem_shared>>
      tpu.wait_dma2 semaphore(%run_scoped3A : memref<!tpu.dma_semaphore, #tpu.memory_space<semaphore_mem>>) src(%dma_wait3A_26 : memref<640x128xf32, #tpu.memory_space<vmem_shared>>) dst(%dma_wait3A_24 : memref<640x128xf32, #tpu.memory_space<hbm>>)
      tpu.yield
    }) : () -> ()
    return
  }
}

#map = affine_map<(d0, d1) -> (0, 0)>
#map1 = affine_map<(d0, d1) -> (0, 0, 0, 0)>
#map2 = affine_map<(d0, d1) -> (0, 0, 0)>
module attributes {stable_mosaic.version = 14 : i64} {
  func.func @k(%arg0: i32, %arg1: i32, %arg2: memref<40000x128xf32, #tpu.memory_space<hbm>>, %arg3: memref<2x16x125x80xi32, #tpu.memory_space<hbm>>, %arg4: memref<2x16x125x80xi32, #tpu.memory_space<hbm>>, %arg5: memref<2x10240x128xf32, #tpu.memory_space<hbm>>, %arg6: memref<125x80xi32, #tpu.memory_space<vmem>>, %arg7: memref<125x80xi32, #tpu.memory_space<vmem>>, %arg8: memref<80x128xf32, #tpu.memory_space<vmem>>, %arg9: memref<40x128xf32, #tpu.memory_space<vmem>>, %arg10: memref<10240x128xf32, #tpu.memory_space<vmem_shared>>, %arg11: memref<!tpu.dma_semaphore, #tpu.memory_space<semaphore_mem>>) attributes {dimension_semantics = [#tpu.dimension_semantics<core_parallel>, #tpu.dimension_semantics<subcore_parallel>], iteration_bounds = array<i64: 2, 16>, scalar_prefetch = 0 : i64, scratch_operands = 6 : i64, tpu.core_type = #tpu.core_type<sc_vector_subcore>, window_params = [{transform_indices = #map}, {transform_indices = #map1}, {transform_indices = #map1}, {transform_indices = #map2}]} {
    %mul3A = arith.constant 640 : i32
    %mul3A_0 = arith.muli %arg1, %mul3A : i32
    %scan3A = arith.constant 0 : i32
    %scan3A_1 = arith.constant 0 : i32
    %scan3A_2 = arith.constant 320 : i32
    %scan3A_3 = arith.addi %scan3A_1, %scan3A_2 : i32
    %scan3A_4 = arith.constant 1 : i32
    scf.for %scan3A_19 = %scan3A_1 to %scan3A_3 step %scan3A_4  : i32 {
      %broadcast_in_dim3A = arith.constant 0.000000e+00 : f32
      %broadcast_in_dim3A_20 = vector.broadcast %broadcast_in_dim3A : f32 to vector<16xf32>
      %jit3A = arith.constant 8 : i32
      %div3A = arith.divsi %scan3A_19, %jit3A : i32
      %sign3A = arith.constant 0 : i32
      %sign3A_21 = arith.cmpi sgt, %scan3A_19, %sign3A : i32
      %sign3A_22 = arith.extui %sign3A_21 : i1 to i32
      %sign3A_23 = arith.constant 0 : i32
      %sign3A_24 = arith.cmpi slt, %scan3A_19, %sign3A_23 : i32
      %sign3A_25 = arith.extui %sign3A_24 : i1 to i32
      %sign3A_26 = arith.subi %sign3A_22, %sign3A_25 : i32
      %sign3A_27 = arith.constant 0 : i32
      %sign3A_28 = arith.cmpi sgt, %jit3A, %sign3A_27 : i32
      %sign3A_29 = arith.extui %sign3A_28 : i1 to i32
      %sign3A_30 = arith.constant 0 : i32
      %sign3A_31 = arith.cmpi slt, %jit3A, %sign3A_30 : i32
      %sign3A_32 = arith.extui %sign3A_31 : i1 to i32
      %sign3A_33 = arith.subi %sign3A_29, %sign3A_32 : i32
      %ne3A = arith.cmpi ne, %sign3A_26, %sign3A_33 : i32
      %rem3A = arith.remsi %scan3A_19, %jit3A : i32
      %ne3A_34 = arith.constant 0 : i32
      %ne3A_35 = arith.cmpi ne, %rem3A, %ne3A_34 : i32
      %and3A = arith.andi %ne3A, %ne3A_35 : i1
      %sub3A = arith.constant 1 : i32
      %sub3A_36 = arith.subi %div3A, %sub3A : i32
      %select_n3A = arith.select %and3A, %sub3A_36, %div3A : i32
      %jit3A_37 = arith.constant 8 : i32
      %eq3A = arith.constant 0 : i32
      %eq3A_38 = arith.cmpi eq, %jit3A_37, %eq3A : i32
      %jit3A_39 = arith.constant 1 : i32
      %select_n3A_40 = arith.select %eq3A_38, %jit3A_39, %jit3A_37 : i32
      %rem3A_41 = arith.remsi %scan3A_19, %select_n3A_40 : i32
      %ne3A_42 = arith.constant 0 : i32
      %ne3A_43 = arith.cmpi ne, %rem3A_41, %ne3A_42 : i32
      %lt3A = arith.constant 0 : i32
      %lt3A_44 = arith.cmpi slt, %rem3A_41, %lt3A : i32
      %lt3A_45 = arith.constant 0 : i32
      %lt3A_46 = arith.cmpi slt, %select_n3A_40, %lt3A_45 : i32
      %ne3A_47 = arith.xori %lt3A_44, %lt3A_46 : i1
      %and3A_48 = arith.andi %ne3A_47, %ne3A_43 : i1
      %add3A = arith.addi %rem3A_41, %select_n3A_40 : i32
      %select_n3A_49 = arith.select %and3A_48, %add3A, %rem3A_41 : i32
      %mul3A_50 = arith.constant 16 : i32
      %mul3A_51 = arith.muli %select_n3A_49, %mul3A_50 : i32
      %swap3A = arith.index_cast %select_n3A : i32 to index
      %swap3A_52 = arith.index_cast %mul3A_51 : i32 to index
      %swap3A_53 = tpu.vector_load %arg9[%swap3A, %swap3A_52] {strides = array<i32>} : memref<40x128xf32, #tpu.memory_space<vmem>>, vector<1x16xf32>,
      %swap3A_54 = vector.shape_cast %swap3A_53 : vector<1x16xf32> to vector<16xf32>
      %swap3A_55 = vector.shape_cast %broadcast_in_dim3A_20 : vector<16xf32> to vector<1x16xf32>
      tpu.vector_store %arg9[%swap3A, %swap3A_52], %swap3A_55 {strides = array<i32>} : memref<40x128xf32, #tpu.memory_space<vmem>>, vector<1x16xf32>,
    }
    %scan3A_5 = arith.constant 320 : i32
    %scan3A_6 = arith.constant 0 : i32
    %scan3A_7 = arith.constant 0 : i32
    %scan3A_8 = arith.constant 16 : i32
    %scan3A_9 = arith.addi %scan3A_7, %scan3A_8 : i32
    %scan3A_10 = arith.constant 1 : i32
    scf.for %scan3A_19 = %scan3A_7 to %scan3A_9 step %scan3A_10  : i32 {
      %mul3A_20 = arith.constant 40 : i32
      %mul3A_21 = arith.muli %scan3A_19, %mul3A_20 : i32
      %add3A = arith.addi %mul3A_0, %mul3A_21 : i32
      "tpu.region"() ({
        %run_scoped3A = tpu.sem_alloc : memref<!tpu.dma_semaphore, #tpu.memory_space<semaphore_mem>>
        %dma_start3A = arith.constant 0 : i32
        %dma_start3A_22 = tpu.memref_slice %arg10[%add3A, %dma_start3A] : memref<10240x128xf32, #tpu.memory_space<vmem_shared>> -> memref<40x128xf32, #tpu.memory_space<vmem_shared>>
        %dma_start3A_23 = arith.constant 0 : i32
        %dma_start3A_24 = tpu.memref_slice %arg10[%add3A, %dma_start3A_23] : memref<10240x128xf32, #tpu.memory_space<vmem_shared>> -> memref<40x128xf32, #tpu.memory_space<vmem_shared>>
        tpu.enqueue_dma source(%arg9 : memref<40x128xf32, #tpu.memory_space<vmem>>) target(%dma_start3A_24 : memref<40x128xf32, #tpu.memory_space<vmem_shared>>) target_semaphore(%run_scoped3A : memref<!tpu.dma_semaphore, #tpu.memory_space<semaphore_mem>>)
        %dma_wait3A = arith.constant 0 : i32
        %dma_wait3A_25 = tpu.memref_slice %arg10[%add3A, %dma_wait3A] : memref<10240x128xf32, #tpu.memory_space<vmem_shared>> -> memref<40x128xf32, #tpu.memory_space<vmem_shared>>
        %dma_wait3A_26 = arith.constant 0 : i32
        %dma_wait3A_27 = tpu.memref_slice %arg10[%add3A, %dma_wait3A_26] : memref<10240x128xf32, #tpu.memory_space<vmem_shared>> -> memref<40x128xf32, #tpu.memory_space<vmem_shared>>
        tpu.wait_dma2 semaphore(%run_scoped3A : memref<!tpu.dma_semaphore, #tpu.memory_space<semaphore_mem>>) src(%arg9 : memref<40x128xf32, #tpu.memory_space<vmem>>) dst(%dma_wait3A_27 : memref<40x128xf32, #tpu.memory_space<vmem_shared>>)
        tpu.yield
      }) : () -> ()
    }
    %scan3A_11 = arith.constant 16 : i32
    "tpu.region"() ({
      %run_scoped3A = tpu.sem_alloc : memref<!tpu.dma_semaphore, #tpu.memory_space<semaphore_mem>>
      %dma_start3A = arith.constant 0 : i32
      %dma_start3A_19 = arith.constant 0 : i32
      %dma_start3A_20 = tpu.memref_slice %arg3[%arg0, %arg1, %dma_start3A, %dma_start3A_19] : memref<2x16x125x80xi32, #tpu.memory_space<hbm>> -> memref<1x1x125x80xi32, #tpu.memory_space<hbm>>
      %dma_start3A_21 = tpu.memref_squeeze %dma_start3A_20 : memref<1x1x125x80xi32, #tpu.memory_space<hbm>> -> memref<125x80xi32, #tpu.memory_space<hbm>>
      %dma_start3A_22 = arith.constant 0 : i32
      %dma_start3A_23 = arith.constant 0 : i32
      %dma_start3A_24 = tpu.memref_slice %arg3[%arg0, %arg1, %dma_start3A_22, %dma_start3A_23] : memref<2x16x125x80xi32, #tpu.memory_space<hbm>> -> memref<1x1x125x80xi32, #tpu.memory_space<hbm>>
      %dma_start3A_25 = tpu.memref_squeeze %dma_start3A_24 : memref<1x1x125x80xi32, #tpu.memory_space<hbm>> -> memref<125x80xi32, #tpu.memory_space<hbm>>
      tpu.enqueue_dma source(%dma_start3A_25 : memref<125x80xi32, #tpu.memory_space<hbm>>) target(%arg6 : memref<125x80xi32, #tpu.memory_space<vmem>>) target_semaphore(%run_scoped3A : memref<!tpu.dma_semaphore, #tpu.memory_space<semaphore_mem>>)
      %dma_wait3A = arith.constant 0 : i32
      %dma_wait3A_26 = arith.constant 0 : i32
      %dma_wait3A_27 = tpu.memref_slice %arg3[%arg0, %arg1, %dma_wait3A, %dma_wait3A_26] : memref<2x16x125x80xi32, #tpu.memory_space<hbm>> -> memref<1x1x125x80xi32, #tpu.memory_space<hbm>>
      %dma_wait3A_28 = tpu.memref_squeeze %dma_wait3A_27 : memref<1x1x125x80xi32, #tpu.memory_space<hbm>> -> memref<125x80xi32, #tpu.memory_space<hbm>>
      %dma_wait3A_29 = arith.constant 0 : i32
      %dma_wait3A_30 = arith.constant 0 : i32
      %dma_wait3A_31 = tpu.memref_slice %arg3[%arg0, %arg1, %dma_wait3A_29, %dma_wait3A_30] : memref<2x16x125x80xi32, #tpu.memory_space<hbm>> -> memref<1x1x125x80xi32, #tpu.memory_space<hbm>>
      %dma_wait3A_32 = tpu.memref_squeeze %dma_wait3A_31 : memref<1x1x125x80xi32, #tpu.memory_space<hbm>> -> memref<125x80xi32, #tpu.memory_space<hbm>>
      tpu.wait_dma2 semaphore(%run_scoped3A : memref<!tpu.dma_semaphore, #tpu.memory_space<semaphore_mem>>) src(%dma_wait3A_32 : memref<125x80xi32, #tpu.memory_space<hbm>>) dst(%arg6 : memref<125x80xi32, #tpu.memory_space<vmem>>)
      tpu.yield
    }) : () -> ()
    "tpu.region"() ({
      %run_scoped3A = tpu.sem_alloc : memref<!tpu.dma_semaphore, #tpu.memory_space<semaphore_mem>>
      %dma_start3A = arith.constant 0 : i32
      %dma_start3A_19 = arith.constant 0 : i32
      %dma_start3A_20 = tpu.memref_slice %arg4[%arg0, %arg1, %dma_start3A, %dma_start3A_19] : memref<2x16x125x80xi32, #tpu.memory_space<hbm>> -> memref<1x1x125x80xi32, #tpu.memory_space<hbm>>
      %dma_start3A_21 = tpu.memref_squeeze %dma_start3A_20 : memref<1x1x125x80xi32, #tpu.memory_space<hbm>> -> memref<125x80xi32, #tpu.memory_space<hbm>>
      %dma_start3A_22 = arith.constant 0 : i32
      %dma_start3A_23 = arith.constant 0 : i32
      %dma_start3A_24 = tpu.memref_slice %arg4[%arg0, %arg1, %dma_start3A_22, %dma_start3A_23] : memref<2x16x125x80xi32, #tpu.memory_space<hbm>> -> memref<1x1x125x80xi32, #tpu.memory_space<hbm>>
      %dma_start3A_25 = tpu.memref_squeeze %dma_start3A_24 : memref<1x1x125x80xi32, #tpu.memory_space<hbm>> -> memref<125x80xi32, #tpu.memory_space<hbm>>
      tpu.enqueue_dma source(%dma_start3A_25 : memref<125x80xi32, #tpu.memory_space<hbm>>) target(%arg7 : memref<125x80xi32, #tpu.memory_space<vmem>>) target_semaphore(%run_scoped3A : memref<!tpu.dma_semaphore, #tpu.memory_space<semaphore_mem>>)
      %dma_wait3A = arith.constant 0 : i32
      %dma_wait3A_26 = arith.constant 0 : i32
      %dma_wait3A_27 = tpu.memref_slice %arg4[%arg0, %arg1, %dma_wait3A, %dma_wait3A_26] : memref<2x16x125x80xi32, #tpu.memory_space<hbm>> -> memref<1x1x125x80xi32, #tpu.memory_space<hbm>>
      %dma_wait3A_28 = tpu.memref_squeeze %dma_wait3A_27 : memref<1x1x125x80xi32, #tpu.memory_space<hbm>> -> memref<125x80xi32, #tpu.memory_space<hbm>>
      %dma_wait3A_29 = arith.constant 0 : i32
      %dma_wait3A_30 = arith.constant 0 : i32
      %dma_wait3A_31 = tpu.memref_slice %arg4[%arg0, %arg1, %dma_wait3A_29, %dma_wait3A_30] : memref<2x16x125x80xi32, #tpu.memory_space<hbm>> -> memref<1x1x125x80xi32, #tpu.memory_space<hbm>>
      %dma_wait3A_32 = tpu.memref_squeeze %dma_wait3A_31 : memref<1x1x125x80xi32, #tpu.memory_space<hbm>> -> memref<125x80xi32, #tpu.memory_space<hbm>>
      tpu.wait_dma2 semaphore(%run_scoped3A : memref<!tpu.dma_semaphore, #tpu.memory_space<semaphore_mem>>) src(%dma_wait3A_32 : memref<125x80xi32, #tpu.memory_space<hbm>>) dst(%arg7 : memref<125x80xi32, #tpu.memory_space<vmem>>)
      tpu.yield
    }) : () -> ()
    %barrier3A = arith.constant 0 : index
    tpu.barrier barrier_id(%barrier3A)
    %scan3A_12 = arith.constant 0 : i32
    %scan3A_13 = arith.constant 0 : i32
    %scan3A_14 = arith.constant 125 : i32
    %scan3A_15 = arith.addi %scan3A_13, %scan3A_14 : i32
    %scan3A_16 = arith.constant 1 : i32
    scf.for %scan3A_19 = %scan3A_13 to %scan3A_15 step %scan3A_16  : i32 {
      %dma_start3A = arith.constant 0 : i32
      %dma_start3A_20 = tpu.memref_slice %arg6[%scan3A_19, %dma_start3A] : memref<125x80xi32, #tpu.memory_space<vmem>> -> memref<1x80xi32, #tpu.memory_space<vmem>>
      %dma_start3A_21 = tpu.memref_squeeze %dma_start3A_20 : memref<1x80xi32, #tpu.memory_space<vmem>> -> memref<80xi32, #tpu.memory_space<vmem>>
      %dma_start3A_22 = arith.constant 0 : i32
      %dma_start3A_23 = arith.constant 0 : i32
      %dma_start3A_24 = tpu.memref_slice %arg2[%dma_start3A_22, %dma_start3A_23] : memref<40000x128xf32, #tpu.memory_space<hbm>> -> memref<40000x128xf32, #tpu.memory_space<hbm>>
      tpu.enqueue_indirect_dma source(%dma_start3A_24 : memref<40000x128xf32, #tpu.memory_space<hbm>>) target(%arg8 : memref<80x128xf32, #tpu.memory_space<vmem>>) offsets(%dma_start3A_21 : memref<80xi32, #tpu.memory_space<vmem>>) semaphore(%arg11 : memref<!tpu.dma_semaphore, #tpu.memory_space<semaphore_mem>>)
      %dma_wait3A = arith.constant 0 : i32
      %dma_wait3A_25 = tpu.memref_slice %arg6[%scan3A_19, %dma_wait3A] : memref<125x80xi32, #tpu.memory_space<vmem>> -> memref<1x80xi32, #tpu.memory_space<vmem>>
      %dma_wait3A_26 = tpu.memref_squeeze %dma_wait3A_25 : memref<1x80xi32, #tpu.memory_space<vmem>> -> memref<80xi32, #tpu.memory_space<vmem>>
      %dma_wait3A_27 = arith.constant 0 : i32
      %dma_wait3A_28 = arith.constant 0 : i32
      %dma_wait3A_29 = tpu.memref_slice %arg2[%dma_wait3A_27, %dma_wait3A_28] : memref<40000x128xf32, #tpu.memory_space<hbm>> -> memref<40000x128xf32, #tpu.memory_space<hbm>>
      tpu.wait_indirect_dma semaphore(%arg11 : memref<!tpu.dma_semaphore, #tpu.memory_space<semaphore_mem>>) src(%dma_wait3A_29 : memref<40000x128xf32, #tpu.memory_space<hbm>>) dst(%arg8 : memref<80x128xf32, #tpu.memory_space<vmem>>)
      "tpu.region"() ({
        %run_scoped3A = tpu.sem_alloc : memref<!tpu.dma_semaphore, #tpu.memory_space<semaphore_mem>>
        %dma_start3A_30 = arith.constant 0 : i32
        %dma_start3A_31 = tpu.memref_slice %arg7[%scan3A_19, %dma_start3A_30] : memref<125x80xi32, #tpu.memory_space<vmem>> -> memref<1x80xi32, #tpu.memory_space<vmem>>
        %dma_start3A_32 = tpu.memref_squeeze %dma_start3A_31 : memref<1x80xi32, #tpu.memory_space<vmem>> -> memref<80xi32, #tpu.memory_space<vmem>>
        %dma_start3A_33 = arith.constant 0 : i32
        %dma_start3A_34 = arith.constant 0 : i32
        %dma_start3A_35 = tpu.memref_slice %arg10[%dma_start3A_33, %dma_start3A_34] : memref<10240x128xf32, #tpu.memory_space<vmem_shared>> -> memref<10240x128xf32, #tpu.memory_space<vmem_shared>>
        tpu.enqueue_indirect_dma source(%arg8 : memref<80x128xf32, #tpu.memory_space<vmem>>) target(%dma_start3A_35 : memref<10240x128xf32, #tpu.memory_space<vmem_shared>>) offsets(%dma_start3A_32 : memref<80xi32, #tpu.memory_space<vmem>>) semaphore(%run_scoped3A : memref<!tpu.dma_semaphore, #tpu.memory_space<semaphore_mem>>) {add = true}
        %dma_wait3A_36 = arith.constant 0 : i32
        %dma_wait3A_37 = tpu.memref_slice %arg7[%scan3A_19, %dma_wait3A_36] : memref<125x80xi32, #tpu.memory_space<vmem>> -> memref<1x80xi32, #tpu.memory_space<vmem>>
        %dma_wait3A_38 = tpu.memref_squeeze %dma_wait3A_37 : memref<1x80xi32, #tpu.memory_space<vmem>> -> memref<80xi32, #tpu.memory_space<vmem>>
        %dma_wait3A_39 = arith.constant 0 : i32
        %dma_wait3A_40 = arith.constant 0 : i32
        %dma_wait3A_41 = tpu.memref_slice %arg10[%dma_wait3A_39, %dma_wait3A_40] : memref<10240x128xf32, #tpu.memory_space<vmem_shared>> -> memref<10240x128xf32, #tpu.memory_space<vmem_shared>>
        tpu.wait_indirect_dma semaphore(%run_scoped3A : memref<!tpu.dma_semaphore, #tpu.memory_space<semaphore_mem>>) src(%arg8 : memref<80x128xf32, #tpu.memory_space<vmem>>) dst(%dma_wait3A_41 : memref<10240x128xf32, #tpu.memory_space<vmem_shared>>)
        tpu.yield
      }) : () -> ()
    }
    %scan3A_17 = arith.constant 125 : i32
    %barrier3A_18 = arith.constant 0 : index
    tpu.barrier barrier_id(%barrier3A_18)
    "tpu.region"() ({
      %run_scoped3A = tpu.sem_alloc : memref<!tpu.dma_semaphore, #tpu.memory_space<semaphore_mem>>
      %dma_start3A = arith.constant 0 : i32
      %dma_start3A_19 = tpu.memref_slice %arg5[%arg0, %mul3A_0, %dma_start3A] : memref<2x10240x128xf32, #tpu.memory_space<hbm>> -> memref<1x640x128xf32, #tpu.memory_space<hbm>>
      %dma_start3A_20 = tpu.memref_squeeze %dma_start3A_19 : memref<1x640x128xf32, #tpu.memory_space<hbm>> -> memref<640x128xf32, #tpu.memory_space<hbm>>
      %dma_start3A_21 = arith.constant 0 : i32
      %dma_start3A_22 = tpu.memref_slice %arg10[%mul3A_0, %dma_start3A_21] : memref<10240x128xf32, #tpu.memory_space<vmem_shared>> -> memref<640x128xf32, #tpu.memory_space<vmem_shared>>
      tpu.enqueue_dma source(%dma_start3A_22 : memref<640x128xf32, #tpu.memory_space<vmem_shared>>) target(%dma_start3A_20 : memref<640x128xf32, #tpu.memory_space<hbm>>) target_semaphore(%run_scoped3A : memref<!tpu.dma_semaphore, #tpu.memory_space<semaphore_mem>>)
      %dma_wait3A = arith.constant 0 : i32
      %dma_wait3A_23 = tpu.memref_slice %arg5[%arg0, %mul3A_0, %dma_wait3A] : memref<2x10240x128xf32, #tpu.memory_space<hbm>> -> memref<1x640x128xf32, #tpu.memory_space<hbm>>
      %dma_wait3A_24 = tpu.memref_squeeze %dma_wait3A_23 : memref<1x640x128xf32, #tpu.memory_space<hbm>> -> memref<640x128xf32, #tpu.memory_space<hbm>>
      %dma_wait3A_25 = arith.constant 0 : i32
      %dma_wait3A_26 = tpu.memref_slice %arg10[%mul3A_0, %dma_wait3A_25] : memref<10240x128xf32, #tpu.memory_space<vmem_shared>> -> memref<640x128xf32, #tpu.memory_space<vmem_shared>>
      tpu.wait_dma2 semaphore(%run_scoped3A : memref<!tpu.dma_semaphore, #tpu.memory_space<semaphore_mem>>) src(%dma_wait3A_26 : memref<640x128xf32, #tpu.memory_space<vmem_shared>>) dst(%dma_wait3A_24 : memref<640x128xf32, #tpu.memory_space<hbm>>)
      tpu.yield
    }) : () -> ()
    return
  }
}

module attributes {stable_mosaic.version = 14 : i64} {
  func.func @_etype_body(%arg0: memref<2500x128xi32, #tpu.memory_space<vmem>>, %arg1: memref<2500x128xf32, #tpu.memory_space<vmem>>, %arg2: memref<2500x128xf32, #tpu.memory_space<vmem>>, %arg3: memref<2500x128xf32, #tpu.memory_space<vmem>>, %arg4: memref<2500x128xf32, #tpu.memory_space<vmem>>, %arg5: memref<2500x128xi32, #tpu.memory_space<vmem>>) attributes {dimension_semantics = [], scalar_prefetch = 0 : i64, scratch_operands = 0 : i64, tpu.core_type = #tpu.core_type<tc>} {
    %get3A = arith.constant 0 : index
    %get3A_0 = arith.constant 0 : index
    %get3A_1 = vector.load %arg1[%get3A, %get3A_0] : memref<2500x128xf32, #tpu.memory_space<vmem>>, vector<2500x128xf32>
    %get3A_2 = arith.constant 0 : index
    %get3A_3 = arith.constant 0 : index
    %get3A_4 = vector.load %arg2[%get3A_2, %get3A_3] : memref<2500x128xf32, #tpu.memory_space<vmem>>, vector<2500x128xf32>
    %get3A_5 = arith.constant 0 : index
    %get3A_6 = arith.constant 0 : index
    %get3A_7 = vector.load %arg3[%get3A_5, %get3A_6] : memref<2500x128xf32, #tpu.memory_space<vmem>>, vector<2500x128xf32>
    %get3A_8 = arith.constant 0 : index
    %get3A_9 = arith.constant 0 : index
    %get3A_10 = vector.load %arg4[%get3A_8, %get3A_9] : memref<2500x128xf32, #tpu.memory_space<vmem>>, vector<2500x128xf32>
    %gt3A = arith.cmpf ogt, %get3A_4, %get3A_1 : vector<2500x128xf32>
    %jit3A = arith.constant 1 : i32
    %jit3A_11 = arith.constant 0 : i32
    %broadcast_in_dim3A = vector.broadcast %jit3A : i32 to vector<2500x128xi32>
    %broadcast_in_dim3A_12 = vector.broadcast %jit3A_11 : i32 to vector<2500x128xi32>
    %select_n3A = arith.select %gt3A, %broadcast_in_dim3A, %broadcast_in_dim3A_12 : vector<2500x128xi1>, vector<2500x128xi32>
    %max3A = arith.maximumf %get3A_1, %get3A_4 : vector<2500x128xf32>
    %gt3A_13 = arith.cmpf ogt, %get3A_7, %max3A : vector<2500x128xf32>
    %jit3A_14 = arith.constant 2 : i32
    %broadcast_in_dim3A_15 = vector.broadcast %jit3A_14 : i32 to vector<2500x128xi32>
    %select_n3A_16 = arith.select %gt3A_13, %broadcast_in_dim3A_15, %select_n3A : vector<2500x128xi1>, vector<2500x128xi32>
    %max3A_17 = arith.maximumf %max3A, %get3A_7 : vector<2500x128xf32>
    %gt3A_18 = arith.cmpf ogt, %get3A_10, %max3A_17 : vector<2500x128xf32>
    %jit3A_19 = arith.constant 3 : i32
    %broadcast_in_dim3A_20 = vector.broadcast %jit3A_19 : i32 to vector<2500x128xi32>
    %select_n3A_21 = arith.select %gt3A_18, %broadcast_in_dim3A_20, %select_n3A_16 : vector<2500x128xi1>, vector<2500x128xi32>
    %mul3A = arith.constant 10000 : i32
    %mul3A_22 = vector.broadcast %mul3A : i32 to vector<2500x128xi32>
    %mul3A_23 = arith.muli %select_n3A_21, %mul3A_22 : vector<2500x128xi32>
    %get3A_24 = arith.constant 0 : index
    %get3A_25 = arith.constant 0 : index
    %get3A_26 = vector.load %arg0[%get3A_24, %get3A_25] : memref<2500x128xi32, #tpu.memory_space<vmem>>, vector<2500x128xi32>
    %add3A = arith.addi %mul3A_23, %get3A_26 : vector<2500x128xi32>
    %swap3A = arith.constant 0 : index
    %swap3A_27 = arith.constant 0 : index
    %swap3A_28 = vector.load %arg5[%swap3A, %swap3A_27] : memref<2500x128xi32, #tpu.memory_space<vmem>>, vector<2500x128xi32>
    tpu.vector_store %arg5[%swap3A, %swap3A_27], %add3A {strides = array<i32>} : memref<2500x128xi32, #tpu.memory_space<vmem>>, vector<2500x128xi32>,
    return
  }
}

module attributes {stable_mosaic.version = 14 : i64} {
  func.func @_hr1_body(%arg0: i32, %arg1: memref<2000x128xf32, #tpu.memory_space<vmem>>, %arg2: memref<4x128x128xf32, #tpu.memory_space<vmem>>, %arg3: memref<4x2000x128xf32, #tpu.memory_space<vmem>>) attributes {dimension_semantics = [#tpu.dimension_semantics<arbitrary>], iteration_bounds = array<i64: 5>, scalar_prefetch = 0 : i64, scratch_operands = 0 : i64, tpu.core_type = #tpu.core_type<tc>, window_params = [{transform_indices = @transform_0, window_bounds = array<i64: 2000, 128>}, {pipeline_mode = #tpu.pipeline_mode<synchronous>, transform_indices = @transform_1, window_bounds = array<i64: 4, 128, 128>}, {transform_indices = @transform_2, window_bounds = array<i64: 4, 2000, 128>}]} {
    %get3A = arith.constant 0 : index
    %get3A_0 = arith.constant 0 : index
    %get3A_1 = vector.load %arg1[%get3A, %get3A_0] : memref<2000x128xf32, #tpu.memory_space<vmem>>, vector<2000x128xf32>
    %get3A_2 = arith.constant 0 : index
    %get3A_3 = arith.constant 0 : index
    %get3A_4 = arith.constant 0 : index
    %get3A_5 = vector.load %arg2[%get3A_2, %get3A_3, %get3A_4] : memref<4x128x128xf32, #tpu.memory_space<vmem>>, vector<1x128x128xf32>
    %get3A_6 = vector.shape_cast %get3A_5 : vector<1x128x128xf32> to vector<128x128xf32>
    %dot_general3A = arith.constant dense<0.000000e+00> : vector<2000x128xf32>
    %dot_general3A_7 = tpu.matmul %get3A_1, %get3A_6, %dot_general3A {dimension_numbers = #tpu.dot_dimension_numbers<[1], [0], [0], [1], [0, 0, 1, 1], [], []>, transpose_lhs_hint = false} : vector<2000x128xf32>, vector<128x128xf32>, vector<2000x128xf32> -> vector<2000x128xf32>
    %swap3A = arith.constant 0 : index
    %swap3A_8 = arith.constant 0 : index
    %swap3A_9 = arith.constant 0 : index
    %swap3A_10 = vector.load %arg3[%swap3A, %swap3A_8, %swap3A_9] : memref<4x2000x128xf32, #tpu.memory_space<vmem>>, vector<1x2000x128xf32>
    %swap3A_11 = vector.shape_cast %swap3A_10 : vector<1x2000x128xf32> to vector<2000x128xf32>
    %swap3A_12 = vector.shape_cast %dot_general3A_7 : vector<2000x128xf32> to vector<1x2000x128xf32>
    tpu.vector_store %arg3[%swap3A, %swap3A_8, %swap3A_9], %swap3A_12 {strides = array<i32>} : memref<4x2000x128xf32, #tpu.memory_space<vmem>>, vector<1x2000x128xf32>,
    %get3A_13 = arith.constant 1 : index
    %get3A_14 = arith.constant 0 : index
    %get3A_15 = arith.constant 0 : index
    %get3A_16 = vector.load %arg2[%get3A_13, %get3A_14, %get3A_15] : memref<4x128x128xf32, #tpu.memory_space<vmem>>, vector<1x128x128xf32>
    %get3A_17 = vector.shape_cast %get3A_16 : vector<1x128x128xf32> to vector<128x128xf32>
    %dot_general3A_18 = arith.constant dense<0.000000e+00> : vector<2000x128xf32>
    %dot_general3A_19 = tpu.matmul %get3A_1, %get3A_17, %dot_general3A_18 {dimension_numbers = #tpu.dot_dimension_numbers<[1], [0], [0], [1], [0, 0, 1, 1], [], []>, transpose_lhs_hint = false} : vector<2000x128xf32>, vector<128x128xf32>, vector<2000x128xf32> -> vector<2000x128xf32>
    %swap3A_20 = arith.constant 1 : index
    %swap3A_21 = arith.constant 0 : index
    %swap3A_22 = arith.constant 0 : index
    %swap3A_23 = vector.load %arg3[%swap3A_20, %swap3A_21, %swap3A_22] : memref<4x2000x128xf32, #tpu.memory_space<vmem>>, vector<1x2000x128xf32>
    %swap3A_24 = vector.shape_cast %swap3A_23 : vector<1x2000x128xf32> to vector<2000x128xf32>
    %swap3A_25 = vector.shape_cast %dot_general3A_19 : vector<2000x128xf32> to vector<1x2000x128xf32>
    tpu.vector_store %arg3[%swap3A_20, %swap3A_21, %swap3A_22], %swap3A_25 {strides = array<i32>} : memref<4x2000x128xf32, #tpu.memory_space<vmem>>, vector<1x2000x128xf32>,
    %get3A_26 = arith.constant 2 : index
    %get3A_27 = arith.constant 0 : index
    %get3A_28 = arith.constant 0 : index
    %get3A_29 = vector.load %arg2[%get3A_26, %get3A_27, %get3A_28] : memref<4x128x128xf32, #tpu.memory_space<vmem>>, vector<1x128x128xf32>
    %get3A_30 = vector.shape_cast %get3A_29 : vector<1x128x128xf32> to vector<128x128xf32>
    %dot_general3A_31 = arith.constant dense<0.000000e+00> : vector<2000x128xf32>
    %dot_general3A_32 = tpu.matmul %get3A_1, %get3A_30, %dot_general3A_31 {dimension_numbers = #tpu.dot_dimension_numbers<[1], [0], [0], [1], [0, 0, 1, 1], [], []>, transpose_lhs_hint = false} : vector<2000x128xf32>, vector<128x128xf32>, vector<2000x128xf32> -> vector<2000x128xf32>
    %swap3A_33 = arith.constant 2 : index
    %swap3A_34 = arith.constant 0 : index
    %swap3A_35 = arith.constant 0 : index
    %swap3A_36 = vector.load %arg3[%swap3A_33, %swap3A_34, %swap3A_35] : memref<4x2000x128xf32, #tpu.memory_space<vmem>>, vector<1x2000x128xf32>
    %swap3A_37 = vector.shape_cast %swap3A_36 : vector<1x2000x128xf32> to vector<2000x128xf32>
    %swap3A_38 = vector.shape_cast %dot_general3A_32 : vector<2000x128xf32> to vector<1x2000x128xf32>
    tpu.vector_store %arg3[%swap3A_33, %swap3A_34, %swap3A_35], %swap3A_38 {strides = array<i32>} : memref<4x2000x128xf32, #tpu.memory_space<vmem>>, vector<1x2000x128xf32>,
    %get3A_39 = arith.constant 3 : index
    %get3A_40 = arith.constant 0 : index
    %get3A_41 = arith.constant 0 : index
    %get3A_42 = vector.load %arg2[%get3A_39, %get3A_40, %get3A_41] : memref<4x128x128xf32, #tpu.memory_space<vmem>>, vector<1x128x128xf32>
    %get3A_43 = vector.shape_cast %get3A_42 : vector<1x128x128xf32> to vector<128x128xf32>
    %dot_general3A_44 = arith.constant dense<0.000000e+00> : vector<2000x128xf32>
    %dot_general3A_45 = tpu.matmul %get3A_1, %get3A_43, %dot_general3A_44 {dimension_numbers = #tpu.dot_dimension_numbers<[1], [0], [0], [1], [0, 0, 1, 1], [], []>, transpose_lhs_hint = false} : vector<2000x128xf32>, vector<128x128xf32>, vector<2000x128xf32> -> vector<2000x128xf32>
    %swap3A_46 = arith.constant 3 : index
    %swap3A_47 = arith.constant 0 : index
    %swap3A_48 = arith.constant 0 : index
    %swap3A_49 = vector.load %arg3[%swap3A_46, %swap3A_47, %swap3A_48] : memref<4x2000x128xf32, #tpu.memory_space<vmem>>, vector<1x2000x128xf32>
    %swap3A_50 = vector.shape_cast %swap3A_49 : vector<1x2000x128xf32> to vector<2000x128xf32>
    %swap3A_51 = vector.shape_cast %dot_general3A_45 : vector<2000x128xf32> to vector<1x2000x128xf32>
    tpu.vector_store %arg3[%swap3A_46, %swap3A_47, %swap3A_48], %swap3A_51 {strides = array<i32>} : memref<4x2000x128xf32, #tpu.memory_space<vmem>>, vector<1x2000x128xf32>,
    return
  }
  func.func @transform_0(%arg0: i32) -> (i32, i32) {
    %c0_i32 = arith.constant 0 : i32
    %c0_i32_0 = arith.constant 0 : i32
    return %arg0, %c0_i32 : i32, i32
  }
  func.func @transform_1(%arg0: i32) -> (i32, i32, i32) {
    %c0_i32 = arith.constant 0 : i32
    %c0_i32_0 = arith.constant 0 : i32
    %c0_i32_1 = arith.constant 0 : i32
    %c0_i32_2 = arith.constant 0 : i32
    return %c0_i32, %c0_i32_0, %c0_i32_1 : i32, i32, i32
  }
  func.func @transform_2(%arg0: i32) -> (i32, i32, i32) {
    %c0_i32 = arith.constant 0 : i32
    %c0_i32_0 = arith.constant 0 : i32
    %c0_i32_1 = arith.constant 0 : i32
    return %c0_i32, %arg0, %c0_i32_0 : i32, i32, i32
  }
}

module attributes {stable_mosaic.version = 14 : i64} {
  func.func @_pre_body(%arg0: i32, %arg1: memref<2x2000x128xf32, #tpu.memory_space<vmem>>, %arg2: memref<2000x128xf32, #tpu.memory_space<vmem>>, %arg3: memref<128x128xf32, #tpu.memory_space<vmem>>, %arg4: memref<1x128xf32, #tpu.memory_space<vmem>>, %arg5: memref<1x128xf32, #tpu.memory_space<vmem>>, %arg6: memref<1x128xf32, #tpu.memory_space<vmem>>, %arg7: memref<2000x128xf32, #tpu.memory_space<vmem>>, %arg8: memref<1x128xf32, #tpu.memory_space<vmem>>, %arg9: memref<1x128xf32, #tpu.memory_space<vmem>>, %arg10: memref<1x128xf32, #tpu.memory_space<vmem>>, %arg11: memref<1x128xf32, #tpu.memory_space<vmem>>) attributes {dimension_semantics = [#tpu.dimension_semantics<arbitrary>], iteration_bounds = array<i64: 5>, scalar_prefetch = 0 : i64, scratch_operands = 2 : i64, tpu.core_type = #tpu.core_type<tc>, window_params = [{transform_indices = @transform_0, window_bounds = array<i64: 2, 2000, 128>}, {transform_indices = @transform_1, window_bounds = array<i64: 2000, 128>}, {pipeline_mode = #tpu.pipeline_mode<synchronous>, transform_indices = @transform_2, window_bounds = array<i64: 128, 128>}, {pipeline_mode = #tpu.pipeline_mode<synchronous>, transform_indices = @transform_3, window_bounds = array<i64: 1, 128>}, {pipeline_mode = #tpu.pipeline_mode<synchronous>, transform_indices = @transform_4, window_bounds = array<i64: 1, 128>}, {pipeline_mode = #tpu.pipeline_mode<synchronous>, transform_indices = @transform_5, window_bounds = array<i64: 1, 128>}, {transform_indices = @transform_6, window_bounds = array<i64: 2000, 128>}, {pipeline_mode = #tpu.pipeline_mode<synchronous>, transform_indices = @transform_7, window_bounds = array<i64: 1, 128>}, {pipeline_mode = #tpu.pipeline_mode<synchronous>, transform_indices = @transform_8, window_bounds = array<i64: 1, 128>}]} {
    %eq3A = arith.constant 0 : i32
    %eq3A_0 = arith.cmpi eq, %arg0, %eq3A : i32
    %convert_element_type3A = arith.extui %eq3A_0 : i1 to i32
    %cond3A = arith.constant 0 : i32
    %cond3A_1 = arith.cmpi ne, %convert_element_type3A, %cond3A : i32
    scf.if %cond3A_1 {
      %broadcast_in_dim3A_49 = arith.constant 0.000000e+00 : f32
      %broadcast_in_dim3A_50 = vector.broadcast %broadcast_in_dim3A_49 : f32 to vector<1x128xf32>
      %swap3A_51 = arith.constant 0 : index
      %swap3A_52 = arith.constant 0 : index
      %swap3A_53 = vector.load %arg10[%swap3A_51, %swap3A_52] : memref<1x128xf32, #tpu.memory_space<vmem>>, vector<1x128xf32>
      tpu.vector_store %arg10[%swap3A_51, %swap3A_52], %broadcast_in_dim3A_50 {strides = array<i32>} : memref<1x128xf32, #tpu.memory_space<vmem>>, vector<1x128xf32>,
      %broadcast_in_dim3A_54 = arith.constant 0.000000e+00 : f32
      %broadcast_in_dim3A_55 = vector.broadcast %broadcast_in_dim3A_54 : f32 to vector<1x128xf32>
      %swap3A_56 = arith.constant 0 : index
      %swap3A_57 = arith.constant 0 : index
      %swap3A_58 = vector.load %arg11[%swap3A_56, %swap3A_57] : memref<1x128xf32, #tpu.memory_space<vmem>>, vector<1x128xf32>
      tpu.vector_store %arg11[%swap3A_56, %swap3A_57], %broadcast_in_dim3A_55 {strides = array<i32>} : memref<1x128xf32, #tpu.memory_space<vmem>>, vector<1x128xf32>,
    } else {
    }
    %get3A = arith.constant 0 : index
    %get3A_2 = arith.constant 0 : index
    %get3A_3 = arith.constant 0 : index
    %get3A_4 = vector.load %arg1[%get3A, %get3A_2, %get3A_3] : memref<2x2000x128xf32, #tpu.memory_space<vmem>>, vector<1x2000x128xf32>
    %get3A_5 = vector.shape_cast %get3A_4 : vector<1x2000x128xf32> to vector<2000x128xf32>
    %get3A_6 = arith.constant 1 : index
    %get3A_7 = arith.constant 0 : index
    %get3A_8 = arith.constant 0 : index
    %get3A_9 = vector.load %arg1[%get3A_6, %get3A_7, %get3A_8] : memref<2x2000x128xf32, #tpu.memory_space<vmem>>, vector<1x2000x128xf32>
    %get3A_10 = vector.shape_cast %get3A_9 : vector<1x2000x128xf32> to vector<2000x128xf32>
    %add3A = arith.addf %get3A_5, %get3A_10 : vector<2000x128xf32>
    %get3A_11 = arith.constant 0 : index
    %get3A_12 = arith.constant 0 : index
    %get3A_13 = vector.load %arg2[%get3A_11, %get3A_12] : memref<2000x128xf32, #tpu.memory_space<vmem>>, vector<2000x128xf32>
    %get3A_14 = arith.constant 0 : index
    %get3A_15 = arith.constant 0 : index
    %get3A_16 = vector.load %arg3[%get3A_14, %get3A_15] : memref<128x128xf32, #tpu.memory_space<vmem>>, vector<128x128xf32>
    %dot_general3A = arith.constant dense<0.000000e+00> : vector<2000x128xf32>
    %dot_general3A_17 = tpu.matmul %get3A_13, %get3A_16, %dot_general3A {dimension_numbers = #tpu.dot_dimension_numbers<[1], [0], [0], [1], [0, 0, 1, 1], [], []>, transpose_lhs_hint = false} : vector<2000x128xf32>, vector<128x128xf32>, vector<2000x128xf32> -> vector<2000x128xf32>
    %add3A_18 = arith.addf %add3A, %dot_general3A_17 : vector<2000x128xf32>
    %get3A_19 = arith.constant 0 : index
    %get3A_20 = arith.constant 0 : index
    %get3A_21 = vector.load %arg4[%get3A_19, %get3A_20] : memref<1x128xf32, #tpu.memory_space<vmem>>, vector<1x128xf32>
    %add3A_22 = vector.broadcast %get3A_21 : vector<1x128xf32> to vector<2000x128xf32>
    %add3A_23 = arith.addf %add3A_18, %add3A_22 : vector<2000x128xf32>
    %swap3A = arith.constant 0 : index
    %swap3A_24 = arith.constant 0 : index
    %swap3A_25 = vector.load %arg7[%swap3A, %swap3A_24] : memref<2000x128xf32, #tpu.memory_space<vmem>>, vector<2000x128xf32>
    tpu.vector_store %arg7[%swap3A, %swap3A_24], %add3A_23 {strides = array<i32>} : memref<2000x128xf32, #tpu.memory_space<vmem>>, vector<2000x128xf32>,
    %get3A_26 = arith.constant 0 : index
    %get3A_27 = arith.constant 0 : index
    %get3A_28 = vector.load %arg10[%get3A_26, %get3A_27] : memref<1x128xf32, #tpu.memory_space<vmem>>, vector<1x128xf32>
    %reduce_sum3A = arith.constant dense<0.000000e+00> : vector<128xf32>
    %reduce_sum3A_29 = vector.multi_reduction <add>, %add3A_23, %reduce_sum3A [0] : vector<2000x128xf32> to vector<128xf32>
    %broadcast_in_dim3A = vector.shape_cast %reduce_sum3A_29 : vector<128xf32> to vector<1x128xf32>
    %add3A_30 = arith.addf %get3A_28, %broadcast_in_dim3A : vector<1x128xf32>
    %swap3A_31 = arith.constant 0 : index
    %swap3A_32 = arith.constant 0 : index
    %swap3A_33 = vector.load %arg10[%swap3A_31, %swap3A_32] : memref<1x128xf32, #tpu.memory_space<vmem>>, vector<1x128xf32>
    tpu.vector_store %arg10[%swap3A_31, %swap3A_32], %add3A_30 {strides = array<i32>} : memref<1x128xf32, #tpu.memory_space<vmem>>, vector<1x128xf32>,
    %get3A_34 = arith.constant 0 : index
    %get3A_35 = arith.constant 0 : index
    %get3A_36 = vector.load %arg11[%get3A_34, %get3A_35] : memref<1x128xf32, #tpu.memory_space<vmem>>, vector<1x128xf32>
    %mul3A = arith.mulf %add3A_23, %add3A_23 : vector<2000x128xf32>
    %reduce_sum3A_37 = arith.constant dense<0.000000e+00> : vector<128xf32>
    %reduce_sum3A_38 = vector.multi_reduction <add>, %mul3A, %reduce_sum3A_37 [0] : vector<2000x128xf32> to vector<128xf32>
    %broadcast_in_dim3A_39 = vector.shape_cast %reduce_sum3A_38 : vector<128xf32> to vector<1x128xf32>
    %add3A_40 = arith.addf %get3A_36, %broadcast_in_dim3A_39 : vector<1x128xf32>
    %swap3A_41 = arith.constant 0 : index
    %swap3A_42 = arith.constant 0 : index
    %swap3A_43 = vector.load %arg11[%swap3A_41, %swap3A_42] : memref<1x128xf32, #tpu.memory_space<vmem>>, vector<1x128xf32>
    tpu.vector_store %arg11[%swap3A_41, %swap3A_42], %add3A_40 {strides = array<i32>} : memref<1x128xf32, #tpu.memory_space<vmem>>, vector<1x128xf32>,
    %eq3A_44 = arith.constant 4 : i32
    %eq3A_45 = arith.cmpi eq, %arg0, %eq3A_44 : i32
    %convert_element_type3A_46 = arith.extui %eq3A_45 : i1 to i32
    %cond3A_47 = arith.constant 0 : i32
    %cond3A_48 = arith.cmpi ne, %convert_element_type3A_46, %cond3A_47 : i32
    scf.if %cond3A_48 {
      %get3A_49 = arith.constant 0 : index
      %get3A_50 = arith.constant 0 : index
      %get3A_51 = vector.load %arg10[%get3A_49, %get3A_50] : memref<1x128xf32, #tpu.memory_space<vmem>>, vector<1x128xf32>
      %mul3A_52 = arith.constant 9.99999974E-5 : f32
      %mul3A_53 = vector.broadcast %mul3A_52 : f32 to vector<1x128xf32>
      %mul3A_54 = arith.mulf %get3A_51, %mul3A_53 : vector<1x128xf32>
      %get3A_55 = arith.constant 0 : index
      %get3A_56 = arith.constant 0 : index
      %get3A_57 = vector.load %arg11[%get3A_55, %get3A_56] : memref<1x128xf32, #tpu.memory_space<vmem>>, vector<1x128xf32>
      %mul3A_58 = arith.constant 9.99999974E-5 : f32
      %mul3A_59 = vector.broadcast %mul3A_58 : f32 to vector<1x128xf32>
      %mul3A_60 = arith.mulf %get3A_57, %mul3A_59 : vector<1x128xf32>
      %mul3A_61 = arith.mulf %mul3A_54, %mul3A_54 : vector<1x128xf32>
      %sub3A = arith.subf %mul3A_60, %mul3A_61 : vector<1x128xf32>
      %get3A_62 = arith.constant 0 : index
      %get3A_63 = arith.constant 0 : index
      %get3A_64 = vector.load %arg5[%get3A_62, %get3A_63] : memref<1x128xf32, #tpu.memory_space<vmem>>, vector<1x128xf32>
      %add3A_65 = arith.constant 9.99999974E-6 : f32
      %add3A_66 = vector.broadcast %add3A_65 : f32 to vector<1x128xf32>
      %add3A_67 = arith.addf %sub3A, %add3A_66 : vector<1x128xf32>
      %rsqrt3A = math.rsqrt %add3A_67 : vector<1x128xf32>
      %mul3A_68 = arith.mulf %get3A_64, %rsqrt3A : vector<1x128xf32>
      %swap3A_69 = arith.constant 0 : index
      %swap3A_70 = arith.constant 0 : index
      %swap3A_71 = vector.load %arg8[%swap3A_69, %swap3A_70] : memref<1x128xf32, #tpu.memory_space<vmem>>, vector<1x128xf32>
      tpu.vector_store %arg8[%swap3A_69, %swap3A_70], %mul3A_68 {strides = array<i32>} : memref<1x128xf32, #tpu.memory_space<vmem>>, vector<1x128xf32>,
      %get3A_72 = arith.constant 0 : index
      %get3A_73 = arith.constant 0 : index
      %get3A_74 = vector.load %arg6[%get3A_72, %get3A_73] : memref<1x128xf32, #tpu.memory_space<vmem>>, vector<1x128xf32>
      %mul3A_75 = arith.mulf %mul3A_54, %mul3A_68 : vector<1x128xf32>
      %sub3A_76 = arith.subf %get3A_74, %mul3A_75 : vector<1x128xf32>
      %swap3A_77 = arith.constant 0 : index
      %swap3A_78 = arith.constant 0 : index
      %swap3A_79 = vector.load %arg9[%swap3A_77, %swap3A_78] : memref<1x128xf32, #tpu.memory_space<vmem>>, vector<1x128xf32>
      tpu.vector_store %arg9[%swap3A_77, %swap3A_78], %sub3A_76 {strides = array<i32>} : memref<1x128xf32, #tpu.memory_space<vmem>>, vector<1x128xf32>,
    } else {
    }
    return
  }
  func.func @transform_0(%arg0: i32) -> (i32, i32, i32) {
    %c0_i32 = arith.constant 0 : i32
    %c0_i32_0 = arith.constant 0 : i32
    %c0_i32_1 = arith.constant 0 : i32
    return %c0_i32, %arg0, %c0_i32_0 : i32, i32, i32
  }
  func.func @transform_1(%arg0: i32) -> (i32, i32) {
    %c0_i32 = arith.constant 0 : i32
    %c0_i32_0 = arith.constant 0 : i32
    return %arg0, %c0_i32 : i32, i32
  }
  func.func @transform_2(%arg0: i32) -> (i32, i32) {
    %c0_i32 = arith.constant 0 : i32
    %c0_i32_0 = arith.constant 0 : i32
    %c0_i32_1 = arith.constant 0 : i32
    return %c0_i32, %c0_i32_0 : i32, i32
  }
  func.func @transform_3(%arg0: i32) -> (i32, i32) {
    %c0_i32 = arith.constant 0 : i32
    %c0_i32_0 = arith.constant 0 : i32
    %c0_i32_1 = arith.constant 0 : i32
    return %c0_i32, %c0_i32_0 : i32, i32
  }
  func.func @transform_4(%arg0: i32) -> (i32, i32) {
    %c0_i32 = arith.constant 0 : i32
    %c0_i32_0 = arith.constant 0 : i32
    %c0_i32_1 = arith.constant 0 : i32
    return %c0_i32, %c0_i32_0 : i32, i32
  }
  func.func @transform_5(%arg0: i32) -> (i32, i32) {
    %c0_i32 = arith.constant 0 : i32
    %c0_i32_0 = arith.constant 0 : i32
    %c0_i32_1 = arith.constant 0 : i32
    return %c0_i32, %c0_i32_0 : i32, i32
  }
  func.func @transform_6(%arg0: i32) -> (i32, i32) {
    %c0_i32 = arith.constant 0 : i32
    %c0_i32_0 = arith.constant 0 : i32
    return %arg0, %c0_i32 : i32, i32
  }
  func.func @transform_7(%arg0: i32) -> (i32, i32) {
    %c0_i32 = arith.constant 0 : i32
    %c0_i32_0 = arith.constant 0 : i32
    %c0_i32_1 = arith.constant 0 : i32
    return %c0_i32, %c0_i32_0 : i32, i32
  }
  func.func @transform_8(%arg0: i32) -> (i32, i32) {
    %c0_i32 = arith.constant 0 : i32
    %c0_i32_0 = arith.constant 0 : i32
    %c0_i32_1 = arith.constant 0 : i32
    return %c0_i32, %c0_i32_0 : i32, i32
  }
}

module attributes {stable_mosaic.version = 14 : i64} {
  func.func @_hr_bn_body(%arg0: i32, %arg1: memref<2000x128xf32, #tpu.memory_space<vmem>>, %arg2: memref<1x128xf32, #tpu.memory_space<vmem>>, %arg3: memref<1x128xf32, #tpu.memory_space<vmem>>, %arg4: memref<4x128x128xf32, #tpu.memory_space<vmem>>, %arg5: memref<2000x128xf32, #tpu.memory_space<vmem>>, %arg6: memref<4x2000x128xf32, #tpu.memory_space<vmem>>) attributes {dimension_semantics = [#tpu.dimension_semantics<arbitrary>], iteration_bounds = array<i64: 5>, scalar_prefetch = 0 : i64, scratch_operands = 0 : i64, tpu.core_type = #tpu.core_type<tc>, window_params = [{transform_indices = @transform_0, window_bounds = array<i64: 2000, 128>}, {pipeline_mode = #tpu.pipeline_mode<synchronous>, transform_indices = @transform_1, window_bounds = array<i64: 1, 128>}, {pipeline_mode = #tpu.pipeline_mode<synchronous>, transform_indices = @transform_2, window_bounds = array<i64: 1, 128>}, {pipeline_mode = #tpu.pipeline_mode<synchronous>, transform_indices = @transform_3, window_bounds = array<i64: 4, 128, 128>}, {transform_indices = @transform_4, window_bounds = array<i64: 2000, 128>}, {transform_indices = @transform_5, window_bounds = array<i64: 4, 2000, 128>}]} {
    %get3A = arith.constant 0 : index
    %get3A_0 = arith.constant 0 : index
    %get3A_1 = vector.load %arg1[%get3A, %get3A_0] : memref<2000x128xf32, #tpu.memory_space<vmem>>, vector<2000x128xf32>
    %get3A_2 = arith.constant 0 : index
    %get3A_3 = arith.constant 0 : index
    %get3A_4 = vector.load %arg2[%get3A_2, %get3A_3] : memref<1x128xf32, #tpu.memory_space<vmem>>, vector<1x128xf32>
    %mul3A = vector.broadcast %get3A_4 : vector<1x128xf32> to vector<2000x128xf32>
    %mul3A_5 = arith.mulf %get3A_1, %mul3A : vector<2000x128xf32>
    %get3A_6 = arith.constant 0 : index
    %get3A_7 = arith.constant 0 : index
    %get3A_8 = vector.load %arg3[%get3A_6, %get3A_7] : memref<1x128xf32, #tpu.memory_space<vmem>>, vector<1x128xf32>
    %add3A = vector.broadcast %get3A_8 : vector<1x128xf32> to vector<2000x128xf32>
    %add3A_9 = arith.addf %mul3A_5, %add3A : vector<2000x128xf32>
    %max3A = arith.constant 0.000000e+00 : f32
    %max3A_10 = vector.broadcast %max3A : f32 to vector<2000x128xf32>
    %max3A_11 = arith.maximumf %add3A_9, %max3A_10 : vector<2000x128xf32>
    %swap3A = arith.constant 0 : index
    %swap3A_12 = arith.constant 0 : index
    %swap3A_13 = vector.load %arg5[%swap3A, %swap3A_12] : memref<2000x128xf32, #tpu.memory_space<vmem>>, vector<2000x128xf32>
    tpu.vector_store %arg5[%swap3A, %swap3A_12], %max3A_11 {strides = array<i32>} : memref<2000x128xf32, #tpu.memory_space<vmem>>, vector<2000x128xf32>,
    %get3A_14 = arith.constant 0 : index
    %get3A_15 = arith.constant 0 : index
    %get3A_16 = arith.constant 0 : index
    %get3A_17 = vector.load %arg4[%get3A_14, %get3A_15, %get3A_16] : memref<4x128x128xf32, #tpu.memory_space<vmem>>, vector<1x128x128xf32>
    %get3A_18 = vector.shape_cast %get3A_17 : vector<1x128x128xf32> to vector<128x128xf32>
    %dot_general3A = arith.constant dense<0.000000e+00> : vector<2000x128xf32>
    %dot_general3A_19 = tpu.matmul %max3A_11, %get3A_18, %dot_general3A {dimension_numbers = #tpu.dot_dimension_numbers<[1], [0], [0], [1], [0, 0, 1, 1], [], []>, transpose_lhs_hint = false} : vector<2000x128xf32>, vector<128x128xf32>, vector<2000x128xf32> -> vector<2000x128xf32>
    %swap3A_20 = arith.constant 0 : index
    %swap3A_21 = arith.constant 0 : index
    %swap3A_22 = arith.constant 0 : index
    %swap3A_23 = vector.load %arg6[%swap3A_20, %swap3A_21, %swap3A_22] : memref<4x2000x128xf32, #tpu.memory_space<vmem>>, vector<1x2000x128xf32>
    %swap3A_24 = vector.shape_cast %swap3A_23 : vector<1x2000x128xf32> to vector<2000x128xf32>
    %swap3A_25 = vector.shape_cast %dot_general3A_19 : vector<2000x128xf32> to vector<1x2000x128xf32>
    tpu.vector_store %arg6[%swap3A_20, %swap3A_21, %swap3A_22], %swap3A_25 {strides = array<i32>} : memref<4x2000x128xf32, #tpu.memory_space<vmem>>, vector<1x2000x128xf32>,
    %get3A_26 = arith.constant 1 : index
    %get3A_27 = arith.constant 0 : index
    %get3A_28 = arith.constant 0 : index
    %get3A_29 = vector.load %arg4[%get3A_26, %get3A_27, %get3A_28] : memref<4x128x128xf32, #tpu.memory_space<vmem>>, vector<1x128x128xf32>
    %get3A_30 = vector.shape_cast %get3A_29 : vector<1x128x128xf32> to vector<128x128xf32>
    %dot_general3A_31 = arith.constant dense<0.000000e+00> : vector<2000x128xf32>
    %dot_general3A_32 = tpu.matmul %max3A_11, %get3A_30, %dot_general3A_31 {dimension_numbers = #tpu.dot_dimension_numbers<[1], [0], [0], [1], [0, 0, 1, 1], [], []>, transpose_lhs_hint = false} : vector<2000x128xf32>, vector<128x128xf32>, vector<2000x128xf32> -> vector<2000x128xf32>
    %swap3A_33 = arith.constant 1 : index
    %swap3A_34 = arith.constant 0 : index
    %swap3A_35 = arith.constant 0 : index
    %swap3A_36 = vector.load %arg6[%swap3A_33, %swap3A_34, %swap3A_35] : memref<4x2000x128xf32, #tpu.memory_space<vmem>>, vector<1x2000x128xf32>
    %swap3A_37 = vector.shape_cast %swap3A_36 : vector<1x2000x128xf32> to vector<2000x128xf32>
    %swap3A_38 = vector.shape_cast %dot_general3A_32 : vector<2000x128xf32> to vector<1x2000x128xf32>
    tpu.vector_store %arg6[%swap3A_33, %swap3A_34, %swap3A_35], %swap3A_38 {strides = array<i32>} : memref<4x2000x128xf32, #tpu.memory_space<vmem>>, vector<1x2000x128xf32>,
    %get3A_39 = arith.constant 2 : index
    %get3A_40 = arith.constant 0 : index
    %get3A_41 = arith.constant 0 : index
    %get3A_42 = vector.load %arg4[%get3A_39, %get3A_40, %get3A_41] : memref<4x128x128xf32, #tpu.memory_space<vmem>>, vector<1x128x128xf32>
    %get3A_43 = vector.shape_cast %get3A_42 : vector<1x128x128xf32> to vector<128x128xf32>
    %dot_general3A_44 = arith.constant dense<0.000000e+00> : vector<2000x128xf32>
    %dot_general3A_45 = tpu.matmul %max3A_11, %get3A_43, %dot_general3A_44 {dimension_numbers = #tpu.dot_dimension_numbers<[1], [0], [0], [1], [0, 0, 1, 1], [], []>, transpose_lhs_hint = false} : vector<2000x128xf32>, vector<128x128xf32>, vector<2000x128xf32> -> vector<2000x128xf32>
    %swap3A_46 = arith.constant 2 : index
    %swap3A_47 = arith.constant 0 : index
    %swap3A_48 = arith.constant 0 : index
    %swap3A_49 = vector.load %arg6[%swap3A_46, %swap3A_47, %swap3A_48] : memref<4x2000x128xf32, #tpu.memory_space<vmem>>, vector<1x2000x128xf32>
    %swap3A_50 = vector.shape_cast %swap3A_49 : vector<1x2000x128xf32> to vector<2000x128xf32>
    %swap3A_51 = vector.shape_cast %dot_general3A_45 : vector<2000x128xf32> to vector<1x2000x128xf32>
    tpu.vector_store %arg6[%swap3A_46, %swap3A_47, %swap3A_48], %swap3A_51 {strides = array<i32>} : memref<4x2000x128xf32, #tpu.memory_space<vmem>>, vector<1x2000x128xf32>,
    %get3A_52 = arith.constant 3 : index
    %get3A_53 = arith.constant 0 : index
    %get3A_54 = arith.constant 0 : index
    %get3A_55 = vector.load %arg4[%get3A_52, %get3A_53, %get3A_54] : memref<4x128x128xf32, #tpu.memory_space<vmem>>, vector<1x128x128xf32>
    %get3A_56 = vector.shape_cast %get3A_55 : vector<1x128x128xf32> to vector<128x128xf32>
    %dot_general3A_57 = arith.constant dense<0.000000e+00> : vector<2000x128xf32>
    %dot_general3A_58 = tpu.matmul %max3A_11, %get3A_56, %dot_general3A_57 {dimension_numbers = #tpu.dot_dimension_numbers<[1], [0], [0], [1], [0, 0, 1, 1], [], []>, transpose_lhs_hint = false} : vector<2000x128xf32>, vector<128x128xf32>, vector<2000x128xf32> -> vector<2000x128xf32>
    %swap3A_59 = arith.constant 3 : index
    %swap3A_60 = arith.constant 0 : index
    %swap3A_61 = arith.constant 0 : index
    %swap3A_62 = vector.load %arg6[%swap3A_59, %swap3A_60, %swap3A_61] : memref<4x2000x128xf32, #tpu.memory_space<vmem>>, vector<1x2000x128xf32>
    %swap3A_63 = vector.shape_cast %swap3A_62 : vector<1x2000x128xf32> to vector<2000x128xf32>
    %swap3A_64 = vector.shape_cast %dot_general3A_58 : vector<2000x128xf32> to vector<1x2000x128xf32>
    tpu.vector_store %arg6[%swap3A_59, %swap3A_60, %swap3A_61], %swap3A_64 {strides = array<i32>} : memref<4x2000x128xf32, #tpu.memory_space<vmem>>, vector<1x2000x128xf32>,
    return
  }
  func.func @transform_0(%arg0: i32) -> (i32, i32) {
    %c0_i32 = arith.constant 0 : i32
    %c0_i32_0 = arith.constant 0 : i32
    return %arg0, %c0_i32 : i32, i32
  }
  func.func @transform_1(%arg0: i32) -> (i32, i32) {
    %c0_i32 = arith.constant 0 : i32
    %c0_i32_0 = arith.constant 0 : i32
    %c0_i32_1 = arith.constant 0 : i32
    return %c0_i32, %c0_i32_0 : i32, i32
  }
  func.func @transform_2(%arg0: i32) -> (i32, i32) {
    %c0_i32 = arith.constant 0 : i32
    %c0_i32_0 = arith.constant 0 : i32
    %c0_i32_1 = arith.constant 0 : i32
    return %c0_i32, %c0_i32_0 : i32, i32
  }
  func.func @transform_3(%arg0: i32) -> (i32, i32, i32) {
    %c0_i32 = arith.constant 0 : i32
    %c0_i32_0 = arith.constant 0 : i32
    %c0_i32_1 = arith.constant 0 : i32
    %c0_i32_2 = arith.constant 0 : i32
    return %c0_i32, %c0_i32_0, %c0_i32_1 : i32, i32, i32
  }
  func.func @transform_4(%arg0: i32) -> (i32, i32) {
    %c0_i32 = arith.constant 0 : i32
    %c0_i32_0 = arith.constant 0 : i32
    return %arg0, %c0_i32 : i32, i32
  }
  func.func @transform_5(%arg0: i32) -> (i32, i32, i32) {
    %c0_i32 = arith.constant 0 : i32
    %c0_i32_0 = arith.constant 0 : i32
    %c0_i32_1 = arith.constant 0 : i32
    return %c0_i32, %arg0, %c0_i32_0 : i32, i32, i32
  }
}

module attributes {stable_mosaic.version = 14 : i64} {
  func.func @_fin_body(%arg0: i32, %arg1: memref<2000x128xf32, #tpu.memory_space<vmem>>, %arg2: memref<1x128xf32, #tpu.memory_space<vmem>>, %arg3: memref<1x128xf32, #tpu.memory_space<vmem>>, %arg4: memref<128x128xf32, #tpu.memory_space<vmem>>, %arg5: memref<1x128xf32, #tpu.memory_space<vmem>>, %arg6: memref<1x128xf32, #tpu.memory_space<vmem>>, %arg7: memref<1x128xf32, #tpu.memory_space<vmem>>, %arg8: memref<2000x128xf32, #tpu.memory_space<vmem>>, %arg9: memref<1x128xf32, #tpu.memory_space<vmem>>, %arg10: memref<1x128xf32, #tpu.memory_space<vmem>>, %arg11: memref<1x128xf32, #tpu.memory_space<vmem>>, %arg12: memref<1x128xf32, #tpu.memory_space<vmem>>) attributes {dimension_semantics = [#tpu.dimension_semantics<arbitrary>], iteration_bounds = array<i64: 5>, scalar_prefetch = 0 : i64, scratch_operands = 2 : i64, tpu.core_type = #tpu.core_type<tc>, window_params = [{transform_indices = @transform_0, window_bounds = array<i64: 2000, 128>}, {pipeline_mode = #tpu.pipeline_mode<synchronous>, transform_indices = @transform_1, window_bounds = array<i64: 1, 128>}, {pipeline_mode = #tpu.pipeline_mode<synchronous>, transform_indices = @transform_2, window_bounds = array<i64: 1, 128>}, {pipeline_mode = #tpu.pipeline_mode<synchronous>, transform_indices = @transform_3, window_bounds = array<i64: 128, 128>}, {pipeline_mode = #tpu.pipeline_mode<synchronous>, transform_indices = @transform_4, window_bounds = array<i64: 1, 128>}, {pipeline_mode = #tpu.pipeline_mode<synchronous>, transform_indices = @transform_5, window_bounds = array<i64: 1, 128>}, {pipeline_mode = #tpu.pipeline_mode<synchronous>, transform_indices = @transform_6, window_bounds = array<i64: 1, 128>}, {transform_indices = @transform_7, window_bounds = array<i64: 2000, 128>}, {pipeline_mode = #tpu.pipeline_mode<synchronous>, transform_indices = @transform_8, window_bounds = array<i64: 1, 128>}, {pipeline_mode = #tpu.pipeline_mode<synchronous>, transform_indices = @transform_9, window_bounds = array<i64: 1, 128>}]} {
    %eq3A = arith.constant 0 : i32
    %eq3A_0 = arith.cmpi eq, %arg0, %eq3A : i32
    %convert_element_type3A = arith.extui %eq3A_0 : i1 to i32
    %cond3A = arith.constant 0 : i32
    %cond3A_1 = arith.cmpi ne, %convert_element_type3A, %cond3A : i32
    scf.if %cond3A_1 {
      %broadcast_in_dim3A_49 = arith.constant 0.000000e+00 : f32
      %broadcast_in_dim3A_50 = vector.broadcast %broadcast_in_dim3A_49 : f32 to vector<1x128xf32>
      %swap3A_51 = arith.constant 0 : index
      %swap3A_52 = arith.constant 0 : index
      %swap3A_53 = vector.load %arg11[%swap3A_51, %swap3A_52] : memref<1x128xf32, #tpu.memory_space<vmem>>, vector<1x128xf32>
      tpu.vector_store %arg11[%swap3A_51, %swap3A_52], %broadcast_in_dim3A_50 {strides = array<i32>} : memref<1x128xf32, #tpu.memory_space<vmem>>, vector<1x128xf32>,
      %broadcast_in_dim3A_54 = arith.constant 0.000000e+00 : f32
      %broadcast_in_dim3A_55 = vector.broadcast %broadcast_in_dim3A_54 : f32 to vector<1x128xf32>
      %swap3A_56 = arith.constant 0 : index
      %swap3A_57 = arith.constant 0 : index
      %swap3A_58 = vector.load %arg12[%swap3A_56, %swap3A_57] : memref<1x128xf32, #tpu.memory_space<vmem>>, vector<1x128xf32>
      tpu.vector_store %arg12[%swap3A_56, %swap3A_57], %broadcast_in_dim3A_55 {strides = array<i32>} : memref<1x128xf32, #tpu.memory_space<vmem>>, vector<1x128xf32>,
    } else {
    }
    %get3A = arith.constant 0 : index
    %get3A_2 = arith.constant 0 : index
    %get3A_3 = vector.load %arg1[%get3A, %get3A_2] : memref<2000x128xf32, #tpu.memory_space<vmem>>, vector<2000x128xf32>
    %get3A_4 = arith.constant 0 : index
    %get3A_5 = arith.constant 0 : index
    %get3A_6 = vector.load %arg2[%get3A_4, %get3A_5] : memref<1x128xf32, #tpu.memory_space<vmem>>, vector<1x128xf32>
    %mul3A = vector.broadcast %get3A_6 : vector<1x128xf32> to vector<2000x128xf32>
    %mul3A_7 = arith.mulf %get3A_3, %mul3A : vector<2000x128xf32>
    %get3A_8 = arith.constant 0 : index
    %get3A_9 = arith.constant 0 : index
    %get3A_10 = vector.load %arg3[%get3A_8, %get3A_9] : memref<1x128xf32, #tpu.memory_space<vmem>>, vector<1x128xf32>
    %add3A = vector.broadcast %get3A_10 : vector<1x128xf32> to vector<2000x128xf32>
    %add3A_11 = arith.addf %mul3A_7, %add3A : vector<2000x128xf32>
    %max3A = arith.constant 0.000000e+00 : f32
    %max3A_12 = vector.broadcast %max3A : f32 to vector<2000x128xf32>
    %max3A_13 = arith.maximumf %add3A_11, %max3A_12 : vector<2000x128xf32>
    %get3A_14 = arith.constant 0 : index
    %get3A_15 = arith.constant 0 : index
    %get3A_16 = vector.load %arg4[%get3A_14, %get3A_15] : memref<128x128xf32, #tpu.memory_space<vmem>>, vector<128x128xf32>
    %dot_general3A = arith.constant dense<0.000000e+00> : vector<2000x128xf32>
    %dot_general3A_17 = tpu.matmul %max3A_13, %get3A_16, %dot_general3A {dimension_numbers = #tpu.dot_dimension_numbers<[1], [0], [0], [1], [0, 0, 1, 1], [], []>, transpose_lhs_hint = false} : vector<2000x128xf32>, vector<128x128xf32>, vector<2000x128xf32> -> vector<2000x128xf32>
    %get3A_18 = arith.constant 0 : index
    %get3A_19 = arith.constant 0 : index
    %get3A_20 = vector.load %arg5[%get3A_18, %get3A_19] : memref<1x128xf32, #tpu.memory_space<vmem>>, vector<1x128xf32>
    %add3A_21 = vector.broadcast %get3A_20 : vector<1x128xf32> to vector<2000x128xf32>
    %add3A_22 = arith.addf %dot_general3A_17, %add3A_21 : vector<2000x128xf32>
    %swap3A = arith.constant 0 : index
    %swap3A_23 = arith.constant 0 : index
    %swap3A_24 = vector.load %arg8[%swap3A, %swap3A_23] : memref<2000x128xf32, #tpu.memory_space<vmem>>, vector<2000x128xf32>
    tpu.vector_store %arg8[%swap3A, %swap3A_23], %add3A_22 {strides = array<i32>} : memref<2000x128xf32, #tpu.memory_space<vmem>>, vector<2000x128xf32>,
    %get3A_25 = arith.constant 0 : index
    %get3A_26 = arith.constant 0 : index
    %get3A_27 = vector.load %arg11[%get3A_25, %get3A_26] : memref<1x128xf32, #tpu.memory_space<vmem>>, vector<1x128xf32>
    %reduce_sum3A = arith.constant dense<0.000000e+00> : vector<128xf32>
    %reduce_sum3A_28 = vector.multi_reduction <add>, %add3A_22, %reduce_sum3A [0] : vector<2000x128xf32> to vector<128xf32>
    %broadcast_in_dim3A = vector.shape_cast %reduce_sum3A_28 : vector<128xf32> to vector<1x128xf32>
    %add3A_29 = arith.addf %get3A_27, %broadcast_in_dim3A : vector<1x128xf32>
    %swap3A_30 = arith.constant 0 : index
    %swap3A_31 = arith.constant 0 : index
    %swap3A_32 = vector.load %arg11[%swap3A_30, %swap3A_31] : memref<1x128xf32, #tpu.memory_space<vmem>>, vector<1x128xf32>
    tpu.vector_store %arg11[%swap3A_30, %swap3A_31], %add3A_29 {strides = array<i32>} : memref<1x128xf32, #tpu.memory_space<vmem>>, vector<1x128xf32>,
    %get3A_33 = arith.constant 0 : index
    %get3A_34 = arith.constant 0 : index
    %get3A_35 = vector.load %arg12[%get3A_33, %get3A_34] : memref<1x128xf32, #tpu.memory_space<vmem>>, vector<1x128xf32>
    %mul3A_36 = arith.mulf %add3A_22, %add3A_22 : vector<2000x128xf32>
    %reduce_sum3A_37 = arith.constant dense<0.000000e+00> : vector<128xf32>
    %reduce_sum3A_38 = vector.multi_reduction <add>, %mul3A_36, %reduce_sum3A_37 [0] : vector<2000x128xf32> to vector<128xf32>
    %broadcast_in_dim3A_39 = vector.shape_cast %reduce_sum3A_38 : vector<128xf32> to vector<1x128xf32>
    %add3A_40 = arith.addf %get3A_35, %broadcast_in_dim3A_39 : vector<1x128xf32>
    %swap3A_41 = arith.constant 0 : index
    %swap3A_42 = arith.constant 0 : index
    %swap3A_43 = vector.load %arg12[%swap3A_41, %swap3A_42] : memref<1x128xf32, #tpu.memory_space<vmem>>, vector<1x128xf32>
    tpu.vector_store %arg12[%swap3A_41, %swap3A_42], %add3A_40 {strides = array<i32>} : memref<1x128xf32, #tpu.memory_space<vmem>>, vector<1x128xf32>,
    %eq3A_44 = arith.constant 4 : i32
    %eq3A_45 = arith.cmpi eq, %arg0, %eq3A_44 : i32
    %convert_element_type3A_46 = arith.extui %eq3A_45 : i1 to i32
    %cond3A_47 = arith.constant 0 : i32
    %cond3A_48 = arith.cmpi ne, %convert_element_type3A_46, %cond3A_47 : i32
    scf.if %cond3A_48 {
      %get3A_49 = arith.constant 0 : index
      %get3A_50 = arith.constant 0 : index
      %get3A_51 = vector.load %arg11[%get3A_49, %get3A_50] : memref<1x128xf32, #tpu.memory_space<vmem>>, vector<1x128xf32>
      %mul3A_52 = arith.constant 9.99999974E-5 : f32
      %mul3A_53 = vector.broadcast %mul3A_52 : f32 to vector<1x128xf32>
      %mul3A_54 = arith.mulf %get3A_51, %mul3A_53 : vector<1x128xf32>
      %get3A_55 = arith.constant 0 : index
      %get3A_56 = arith.constant 0 : index
      %get3A_57 = vector.load %arg12[%get3A_55, %get3A_56] : memref<1x128xf32, #tpu.memory_space<vmem>>, vector<1x128xf32>
      %mul3A_58 = arith.constant 9.99999974E-5 : f32
      %mul3A_59 = vector.broadcast %mul3A_58 : f32 to vector<1x128xf32>
      %mul3A_60 = arith.mulf %get3A_57, %mul3A_59 : vector<1x128xf32>
      %mul3A_61 = arith.mulf %mul3A_54, %mul3A_54 : vector<1x128xf32>
      %sub3A = arith.subf %mul3A_60, %mul3A_61 : vector<1x128xf32>
      %get3A_62 = arith.constant 0 : index
      %get3A_63 = arith.constant 0 : index
      %get3A_64 = vector.load %arg6[%get3A_62, %get3A_63] : memref<1x128xf32, #tpu.memory_space<vmem>>, vector<1x128xf32>
      %add3A_65 = arith.constant 9.99999974E-6 : f32
      %add3A_66 = vector.broadcast %add3A_65 : f32 to vector<1x128xf32>
      %add3A_67 = arith.addf %sub3A, %add3A_66 : vector<1x128xf32>
      %rsqrt3A = math.rsqrt %add3A_67 : vector<1x128xf32>
      %mul3A_68 = arith.mulf %get3A_64, %rsqrt3A : vector<1x128xf32>
      %swap3A_69 = arith.constant 0 : index
      %swap3A_70 = arith.constant 0 : index
      %swap3A_71 = vector.load %arg9[%swap3A_69, %swap3A_70] : memref<1x128xf32, #tpu.memory_space<vmem>>, vector<1x128xf32>
      tpu.vector_store %arg9[%swap3A_69, %swap3A_70], %mul3A_68 {strides = array<i32>} : memref<1x128xf32, #tpu.memory_space<vmem>>, vector<1x128xf32>,
      %get3A_72 = arith.constant 0 : index
      %get3A_73 = arith.constant 0 : index
      %get3A_74 = vector.load %arg7[%get3A_72, %get3A_73] : memref<1x128xf32, #tpu.memory_space<vmem>>, vector<1x128xf32>
      %mul3A_75 = arith.mulf %mul3A_54, %mul3A_68 : vector<1x128xf32>
      %sub3A_76 = arith.subf %get3A_74, %mul3A_75 : vector<1x128xf32>
      %swap3A_77 = arith.constant 0 : index
      %swap3A_78 = arith.constant 0 : index
      %swap3A_79 = vector.load %arg10[%swap3A_77, %swap3A_78] : memref<1x128xf32, #tpu.memory_space<vmem>>, vector<1x128xf32>
      tpu.vector_store %arg10[%swap3A_77, %swap3A_78], %sub3A_76 {strides = array<i32>} : memref<1x128xf32, #tpu.memory_space<vmem>>, vector<1x128xf32>,
    } else {
    }
    return
  }
  func.func @transform_0(%arg0: i32) -> (i32, i32) {
    %c0_i32 = arith.constant 0 : i32
    %c0_i32_0 = arith.constant 0 : i32
    return %arg0, %c0_i32 : i32, i32
  }
  func.func @transform_1(%arg0: i32) -> (i32, i32) {
    %c0_i32 = arith.constant 0 : i32
    %c0_i32_0 = arith.constant 0 : i32
    %c0_i32_1 = arith.constant 0 : i32
    return %c0_i32, %c0_i32_0 : i32, i32
  }
  func.func @transform_2(%arg0: i32) -> (i32, i32) {
    %c0_i32 = arith.constant 0 : i32
    %c0_i32_0 = arith.constant 0 : i32
    %c0_i32_1 = arith.constant 0 : i32
    return %c0_i32, %c0_i32_0 : i32, i32
  }
  func.func @transform_3(%arg0: i32) -> (i32, i32) {
    %c0_i32 = arith.constant 0 : i32
    %c0_i32_0 = arith.constant 0 : i32
    %c0_i32_1 = arith.constant 0 : i32
    return %c0_i32, %c0_i32_0 : i32, i32
  }
  func.func @transform_4(%arg0: i32) -> (i32, i32) {
    %c0_i32 = arith.constant 0 : i32
    %c0_i32_0 = arith.constant 0 : i32
    %c0_i32_1 = arith.constant 0 : i32
    return %c0_i32, %c0_i32_0 : i32, i32
  }
  func.func @transform_5(%arg0: i32) -> (i32, i32) {
    %c0_i32 = arith.constant 0 : i32
    %c0_i32_0 = arith.constant 0 : i32
    %c0_i32_1 = arith.constant 0 : i32
    return %c0_i32, %c0_i32_0 : i32, i32
  }
  func.func @transform_6(%arg0: i32) -> (i32, i32) {
    %c0_i32 = arith.constant 0 : i32
    %c0_i32_0 = arith.constant 0 : i32
    %c0_i32_1 = arith.constant 0 : i32
    return %c0_i32, %c0_i32_0 : i32, i32
  }
  func.func @transform_7(%arg0: i32) -> (i32, i32) {
    %c0_i32 = arith.constant 0 : i32
    %c0_i32_0 = arith.constant 0 : i32
    return %arg0, %c0_i32 : i32, i32
  }
  func.func @transform_8(%arg0: i32) -> (i32, i32) {
    %c0_i32 = arith.constant 0 : i32
    %c0_i32_0 = arith.constant 0 : i32
    %c0_i32_1 = arith.constant 0 : i32
    return %c0_i32, %c0_i32_0 : i32, i32
  }
  func.func @transform_9(%arg0: i32) -> (i32, i32) {
    %c0_i32 = arith.constant 0 : i32
    %c0_i32_0 = arith.constant 0 : i32
    %c0_i32_1 = arith.constant 0 : i32
    return %c0_i32, %c0_i32_0 : i32, i32
  }
}

module attributes {stable_mosaic.version = 14 : i64} {
  func.func @_norm_body(%arg0: i32, %arg1: memref<2000x128xf32, #tpu.memory_space<vmem>>, %arg2: memref<1x128xf32, #tpu.memory_space<vmem>>, %arg3: memref<1x128xf32, #tpu.memory_space<vmem>>, %arg4: memref<2000x128xf32, #tpu.memory_space<vmem>>) attributes {dimension_semantics = [#tpu.dimension_semantics<arbitrary>], iteration_bounds = array<i64: 5>, scalar_prefetch = 0 : i64, scratch_operands = 0 : i64, tpu.core_type = #tpu.core_type<tc>, window_params = [{transform_indices = @transform_0, window_bounds = array<i64: 2000, 128>}, {pipeline_mode = #tpu.pipeline_mode<synchronous>, transform_indices = @transform_1, window_bounds = array<i64: 1, 128>}, {pipeline_mode = #tpu.pipeline_mode<synchronous>, transform_indices = @transform_2, window_bounds = array<i64: 1, 128>}, {transform_indices = @transform_3, window_bounds = array<i64: 2000, 128>}]} {
    %get3A = arith.constant 0 : index
    %get3A_0 = arith.constant 0 : index
    %get3A_1 = vector.load %arg1[%get3A, %get3A_0] : memref<2000x128xf32, #tpu.memory_space<vmem>>, vector<2000x128xf32>
    %get3A_2 = arith.constant 0 : index
    %get3A_3 = arith.constant 0 : index
    %get3A_4 = vector.load %arg2[%get3A_2, %get3A_3] : memref<1x128xf32, #tpu.memory_space<vmem>>, vector<1x128xf32>
    %mul3A = vector.broadcast %get3A_4 : vector<1x128xf32> to vector<2000x128xf32>
    %mul3A_5 = arith.mulf %get3A_1, %mul3A : vector<2000x128xf32>
    %get3A_6 = arith.constant 0 : index
    %get3A_7 = arith.constant 0 : index
    %get3A_8 = vector.load %arg3[%get3A_6, %get3A_7] : memref<1x128xf32, #tpu.memory_space<vmem>>, vector<1x128xf32>
    %add3A = vector.broadcast %get3A_8 : vector<1x128xf32> to vector<2000x128xf32>
    %add3A_9 = arith.addf %mul3A_5, %add3A : vector<2000x128xf32>
    %swap3A = arith.constant 0 : index
    %swap3A_10 = arith.constant 0 : index
    %swap3A_11 = vector.load %arg4[%swap3A, %swap3A_10] : memref<2000x128xf32, #tpu.memory_space<vmem>>, vector<2000x128xf32>
    tpu.vector_store %arg4[%swap3A, %swap3A_10], %add3A_9 {strides = array<i32>} : memref<2000x128xf32, #tpu.memory_space<vmem>>, vector<2000x128xf32>,
    return
  }
  func.func @transform_0(%arg0: i32) -> (i32, i32) {
    %c0_i32 = arith.constant 0 : i32
    %c0_i32_0 = arith.constant 0 : i32
    return %arg0, %c0_i32 : i32, i32
  }
  func.func @transform_1(%arg0: i32) -> (i32, i32) {
    %c0_i32 = arith.constant 0 : i32
    %c0_i32_0 = arith.constant 0 : i32
    %c0_i32_1 = arith.constant 0 : i32
    return %c0_i32, %c0_i32_0 : i32, i32
  }
  func.func @transform_2(%arg0: i32) -> (i32, i32) {
    %c0_i32 = arith.constant 0 : i32
    %c0_i32_0 = arith.constant 0 : i32
    %c0_i32_1 = arith.constant 0 : i32
    return %c0_i32, %c0_i32_0 : i32, i32
  }
  func.func @transform_3(%arg0: i32) -> (i32, i32) {
    %c0_i32 = arith.constant 0 : i32
    %c0_i32_0 = arith.constant 0 : i32
    return %arg0, %c0_i32 : i32, i32
  }
}

</mosaic_0001>

<sc_bundles>
// kernel: kernel.14.cloned.1.call-start
scs
__scs_entry_jumppad:
0x0: {  	(pc) =	sbr.rel $0x88, $3  }
0x1: {  	(tag) =	ssettag $0x0;
	lr =	simm.s32 $0x1  }
0x2: {  	[smem:$0x3F8B] =	sst lr;
	_ =	strace $0xD0000000  }
0x3: {  	_ = 	snop  }
0x4: {  	_ = 	snop  }
0x5: {  	_ = 	snop  }
0x6: {  	_ = 	snop  }
0x7: {  	_ = 	snop  }
__scs_overlays_trampoline_lowered:
0x8: {  	[smem:$0x3F9A] =	sst s0  }
0x9: {  	[smem:$0x3F9B] =	sst s1  }
0xa: {  	[smem:$0x3F9C] =	sst s2  }
0xb: {  	[smem:$0x3F9D] =	sst s3  }
0xc: {  	[smem:$0x3F9E] =	sst s4  }
0xd: {  	[smem:$0x3F9F] =	sst s5  }
0xe: {  	[smem:$0x3FA0] =	sst s6  }
0xf: {  	[smem:$0x3FA1] =	sst s7  }
0x10: {  	[smem:$0x3FA2] =	sst s8  }
0x11: {  	[smem:$0x3FA3] =	sst s9;
	s0 =	simm.s32 @!p0 $0x0  }
0x12: {  	s1 =	sld [smem:$0x3F89];
	s0 =	simm.s32 @p0 $0x1  }
0x13: {  	[smem:$0x3FA4] =	sst s0;
	s0 =	simm.s32 @!p1 $0x0  }
0x14: {  	s2 =	sld [smem:$0x3F88];
	s0 =	simm.s32 @p1 $0x1  }
0x15: {  	[smem:$0x3FA5] =	sst s0;
	s0 =	simm.s32 @!p2 $0x0  }
0x16: {  	s3 =	sld [smem:$0x3FDB];
	s0 =	simm.s32 @p2 $0x1  }
0x17: {  	s4 =	simm.s32 $0x1BF5;
	[smem:$0x3FA7] =	sst s0  }
0x18: {  	s0 =	sld [smem:$0x3F8A];
	_ =	swait.ge [sflag:s4], $0x0  }
0x19: {  	s7 =	sld [smem:$0x3F8B]  }
0x1a: {  	s8 =	sadd.s32 $0xFFFFE003, lr  }
0x1b: {  	s9 =	sadd.s32 $0xFFFFFEF7, lr;
	s5 =	simm.s32 $0xFFFFFFFF;
	p2 =	slt.u32 s8, $0xFFFFF086  }
0x1c: {  	p1 =	slt.u32 s9, $0xF7A;
	s5 =	simm.s32 @!p2 $0x0  }
0x1d: {  	s5 =	simm.s32 @p1 $0x1;
	p0 =	seq.s32 s7, s2  }
0x1e: {  	s7 =	smul.u32 @!p0 $0xF7A, s2;
	p2 =	seq.s32 @!p0 s5, $0x0  }
0x1f: {  	s9 =	smul.u32 $0xF7A, s1;
	s8 =	simm.s32 @!p0 $0x1BF5;
	p2 =	por !p2, p0  }
0x20: {  	[sflag:s8] =	ssyncset.s32 @!p0 $0xFFFFF086;
	s6 =	sadd.s32 @!p0 s3, s7;
	s7 =	simm.s32 @!p0 $0x108  }
0x21: {  	s3 =	sadd.s32 s3, s9;
	s6 =	sadd.s32 @!p0 $0x88, s6;
	s7 =	simm.s32 @p2 $0x1082  }
0x22: {  	[simem:s7], [sflag:s8] =	dma.local @!p0 [hbm:s6], $0xF7A  }
0x23: {  	s9 =	sor.u32 $0xD0000000, s2;
	s6 =	simm.s32 $0x108;
	_ =	swait.ge @!p0 [sflag:s8], $0x0  }
0x24: {  	s3 =	sadd.s32 $0x88, s3;
	s6 =	simm.s32 @!p1 $0x1082;
	[sflag:s4] =	ssyncset.s32 $0xFFFFF086  }
0x25: {  	[simem:s6], [sflag:s4] =	dma.local [hbm:s3], $0xF7A  }
0x26: {  	[smem:$0x3F8B] =	sst s1;
	(tag) =	ssettag s2;
	_ =	strace s9  }
0x27: {  	s1 =	sld [smem:$0x3F9B]  }
0x28: {  	s2 =	sld [smem:$0x3F9C]  }
0x29: {  	s4 =	sld [smem:$0x3F9E]  }
0x2a: {  	p0 =	seq.s32 s5, $0x0;
	s5 =	sld [smem:$0x3F9F]  }
0x2b: {  	s6 =	sld [smem:$0x3FA0]  }
0x2c: {  	s7 =	sld [smem:$0x3FA1]  }
0x2d: {  	s3 =	simm.s32 $0x108;
	s8 =	sld [smem:$0x3FA2]  }
0x2e: {  	s3 =	simm.s32 @!p0 $0x1082;
	s9 =	sld [smem:$0x3FA3]  }
0x2f: {  	lr =	sadd.s32 s0, s3;
	s0 =	sld [smem:$0x3F9A]  }
0x30: {  	s3 =	sld [smem:$0x3F9D]  }
0x31: {  	[smem:$0x3FA6] =	sst s10  }
0x32: {  	s10 =	sld [smem:$0x3FA4];
	_ =	sdelay $0x3  }
0x33: {  	p0 =	seq.s32 s10, $0x1;
	s10 =	sld [smem:$0x3FA6];
	_ =	sdelay $0x3  }
0x34: {  	[smem:$0x3FA6] =	sst s10  }
0x35: {  	s10 =	sld [smem:$0x3FA5];
	_ =	sdelay $0x3  }
0x36: {  	p1 =	seq.s32 s10, $0x1;
	s10 =	sld [smem:$0x3FA6];
	_ =	sdelay $0x3  }
0x37: {  	[smem:$0x3FA6] =	sst s10  }
0x38: {  	s10 =	sld [smem:$0x3FA7]  }
0x39: {  	_ = 	snop;
	(pc) =	sbr.ind lr, $3  }
0x3a: {  	_ = 	snop  }
0x3b: {  	_ = 	snop  }
0x3c: {  	p2 =	seq.s32 s10, $0x1;
	s10 =	sld [smem:$0x3FA6]  }
0x3d: {  	_ =	shalt  }
0x3e: {  	_ =	shalt  }
0x3f: {  	_ =	shalt  }
0x40: {  	_ =	shalt  }
0x41: {  	_ =	shalt  }
0x42: {  	_ =	shalt  }
0x43: {  	_ =	shalt  }
0x44: {  	_ =	shalt  }
0x45: {  	_ =	shalt  }
0x46: {  	_ =	shalt  }
0x47: {  	_ =	shalt  }
0x48: {  	_ =	shalt  }
0x49: {  	_ =	shalt  }
0x4a: {  	_ =	shalt  }
0x4b: {  	_ =	shalt  }
0x4c: {  	_ =	shalt  }
0x4d: {  	_ =	shalt  }
0x4e: {  	_ =	shalt  }
0x4f: {  	_ =	shalt  }
0x50: {  	_ =	shalt  }
0x51: {  	_ =	shalt  }
0x52: {  	_ =	shalt  }
0x53: {  	_ =	shalt  }
0x54: {  	_ =	shalt  }
0x55: {  	_ =	shalt  }
0x56: {  	_ =	shalt  }
0x57: {  	_ =	shalt  }
0x58: {  	_ =	shalt  }
0x59: {  	_ =	shalt  }
0x5a: {  	_ =	shalt  }
0x5b: {  	_ =	shalt  }
0x5c: {  	_ =	shalt  }
0x5d: {  	_ =	shalt  }
0x5e: {  	_ =	shalt  }
0x5f: {  	_ =	shalt  }
0x60: {  	_ =	shalt  }
0x61: {  	_ =	shalt  }
0x62: {  	_ =	shalt  }
0x63: {  	_ =	shalt  }
0x64: {  	_ =	shalt  }
0x65: {  	_ =	shalt  }
0x66: {  	_ =	shalt  }
0x67: {  	_ =	shalt  }
0x68: {  	_ =	shalt  }
0x69: {  	_ =	shalt  }
0x6a: {  	_ =	shalt  }
0x6b: {  	_ =	shalt  }
0x6c: {  	_ =	shalt  }
0x6d: {  	_ =	shalt  }
0x6e: {  	_ =	shalt  }
0x6f: {  	_ =	shalt  }
0x70: {  	_ =	shalt  }
0x71: {  	_ =	shalt  }
0x72: {  	_ =	shalt  }
0x73: {  	_ =	shalt  }
0x74: {  	_ =	shalt  }
0x75: {  	_ =	shalt  }
0x76: {  	_ =	shalt  }
0x77: {  	_ =	shalt  }
0x78: {  	_ =	shalt  }
0x79: {  	_ =	shalt  }
0x7a: {  	_ =	shalt  }
0x7b: {  	_ =	shalt  }
0x7c: {  	_ =	shalt  }
0x7d: {  	_ =	shalt  }
0x7e: {  	_ =	shalt  }
0x7f: {  	_ =	shalt  }
0x80: {  	_ =	shalt  }
0x81: {  	_ =	shalt  }
0x82: {  	_ =	shalt  }
0x83: {  	_ =	shalt  }
0x84: {  	_ =	shalt  }
0x85: {  	_ =	shalt  }
0x86: {  	_ =	shalt  }
0x87: {  	_ =	shalt  }
.Lfunc_end0:
.L_simem_size_0:
called_computation_lowered:
.L_overlay_start_0:
0x88: {  	s2 =	sld [smem:$0x3FD9]  }
0x89: {  	s3 =	sld [smem:$0x3FFE];
	_ =	sdelay $0x1  }
0x8a: {  	s1 =	srdreg.scid  }
0x8b: {  	s0 =	sand.u32 $0x1, s1  }
0x8c: {  	s17 =	sshll.u32 s0, $0xA;
	s2 =	sadd.s32 s3, s2  }
0x8d: {  	s2 =	sadd.s32 s2, s17  }
0x8e: {  	[smem:$0x3FB2] =	sst s2  }
0x8f: {  	_ = 	snop  }
0x90: {  	s2 =	sld [smem:$0x3FD0];
	(tm) =	ssettm $0x1  }
0x91: {  	s18 =	sld [smem:$0x3FFB];
	_ =	sdelay $0x3  }
0x92: {  	_ =	strace s18  }
0x93: {  	s3 =	sld [smem:$0x3FFC];
	_ =	sdelay $0x3  }
0x94: {  	_ =	strace s3  }
0x95: {  	s3 =	sld [smem:$0x3FFD];
	_ =	sdelay $0x3  }
0x96: {  	_ =	strace s3  }
0x97: {  	_ =	strace $0x8FFFFFFF  }
0x98: {  	s19 =	sld [smem:$0x3FDB];
	_ =	sdelay $0x1  }
0x99: {  	s4 =	simm.s32 $_scs_section_size  }
0x9a: {  	s5 =	simm.s32 $_size__tile_overlayer_lowered;
	s6 =	simm.s32 $_tile_overlayer_lowered  }
0x9b: {  	s22 =	simm.s32 $0x1BFF;
	s21 =	sshll.u32 s6, $0x1;
	s3 =	sadd.s32 s4, s19  }
0x9c: {  	s7 =	simm.s32 $0x0;
	s20 =	sshll.u32 s5, $0x1;
	s5 =	sadd.s32 s21, s3  }
0x9d: {  	[timem:s7], [sflag:s22] =	dma.local [hbm:s5], s20  }
0x9e: {  	_ =	swait.ge [sflag:s22], s20  }
0x9f: {  	s4 =	ssub.s32 $0x0, s20;
	[sflag:s22] =	ssyncset.done $0x0  }
0xa0: {  	[sflag:s22] =	ssyncadd.s32 s4;
	_ =	sdelay $0x1  }
0xa1: {  	s23 =	simm.s32 $0x1B8B  }
0xa2: {  	_ =	swait.ge [sflag:s23], $0x1  }
0xa3: {  	[sflag:s23] =	ssyncset.done $0x0  }
0xa4: {  	s25 =	simm.s32 $0x1B8E;
	s24 =	sld [smem:$0x3FFE];
	[sflag:s23] =	ssyncadd.s32 $0xFFFFFFFF  }
0xa5: {  	s26 =	simm.s32 $execute0_lowered;
	[smem:$0x3FD2] =	sst s25  }
0xa6: {  	s5 =	sshll.u32 s26, $0x1;
	_ =	strace $0x80000046;
	[dreg:$0x1] =	wrdreg $0xFFFFFFFF  }
0xa7: {  	s28 =	simm.s32 $_size_execute0_lowered;
	s3 =	sadd.s32 s3, s5;
	[dreg:$0x0] =	wrdreg $0x0  }
0xa8: {  	s5 =	sshll.u32 s28, $0x1;
	[dreg:$0x2] =	wrdreg s3  }
0xa9: {  	[dreg:$0x3] =	wrdreg s5  }
0xaa: {  	[dreg:$0x4] =	wrdreg $0xC0  }
0xab: {  	_ =	task [dreg:s7], $0x5FFFF  }
0xac: {  	[dreg:$0x1] =	wrdreg $0xFFFFFFFF  }
0xad: {  	[dreg:$0x0] =	wrdreg $0x60  }
0xae: {  	[dreg:$0x2] =	wrdreg s24  }
0xaf: {  	[dreg:$0x3] =	wrdreg s2  }
0xb0: {  	[dreg:$0x4] =	wrdreg $0xBC000  }
0xb1: {  	[dreg:$0x5] =	wrdreg $0x9  }
0xb2: {  	_ =	task.clear_ibuf [dreg:s7], $0x6FFFF;
	_ =	strace $0x90000046  }
0xb3: {  	s29 =	simm.s32 $0x9;
	_ =	strace $0x80000048  }
0xb4: {  	_ =	swait.ge [sflag:s29], $0x1  }
0xb5: {  	[sflag:s29] =	ssyncadd.s32 $0xFFFFFFFF  }
0xb6: {  	_ =	strace $0x90000048  }
0xb7: {  	_ =	sfence  }
0xb8: {  	s30 =	sld [smem:$0x0];
	_ =	sdelay $0x2  }
0xb9: {  	s31 =	sshll.u32 s1, $0xD;
	s1 =	sshrl.u32 s1, $0x2  }
0xba: {  	s3 =	sand.u32 $0x4000, s31;
	s1 =	sadd.s32 s1, s30  }
0xbb: {  	s0 =	sor.u32 s3, s0;
	s1 =	sshll.u32 s1, $0x11  }
0xbc: {  	s0 =	sor.u32 s1, s0  }
0xbd: {  	s0 =	sadd.s32 $0x8F2B, s0  }
0xbe: {  	[sflag:s0] =	ssyncadd.remote.s32 $0x1  }
0xbf: {  	_ =	sfence.sel $0xFFFF  }
0xc0: {  	[dreg:$0x0] =	wrdreg $0xFFFFFFFF;
	(pc) =	sbr.abs _section_cstart, $3  }
0xc1: {  	[dreg:$0x1] =	wrdreg $0xFFFFFFFF  }
0xc2: {  	_ =	task.clear_ibuf [dreg:s7], $0x2FFFF;
	_ =	strace $0x9FFFFFFF  }
0xc3: {  	(tm) =	ssettm $0x7FFFFFFF  }
tec
execute0_lowered:
.L_overlay_start_1:
0x0: {  	(tag) =	ssettag $0x1  }
0x1: {  	s0 =	rddreg [dreg:$0x0]  }
0x2: {  	s2 =	rddreg [dreg:$0x1]  }
0x3: {  	s1 =	rddreg [dreg:$0x2]  }
0x4: {  	s4 =	simm.s32 $0x0;
	s3 =	srdreg.scid;
	s9 =	stileid.u32  }
0x5: {  	s29 =	simm.s32 $0x50;
	s30 =	simm.s32 $0x8000;
	s31 =	simm.s32 $0x1  }
0x6: {  	[smem:$0x7FF] =	sst s4;
	s3 =	sand.u32 $0x1, s3;
	s8 =	smul.u32 $0x14000, s9  }
0x7: {  	s7 =	sshll.u32 s9, $0xB;
	s4 =	sadd.s32 $0x12A00, s0;
	s25 =	smul.u32 $0x50000, s9  }
0x8: {  	s5 =	smul.u32 $0x140000, s3;
	s6 =	sshll.u32 s3, $0xF;
	s3 =	ssub.s32 $0x2, s3  }
0x9: {  	_ =	strace $0x80000047;
	s6 =	sor.u32 s7, s6;
	s28 =	sshrl.u32 s3, $0x1  }
0xa: {  	s7 =	sshrl.u32 s25, $0x2;
	s25 =	simm.s32 $0xA800;
	s5 =	sadd.s32 s8, s5  }
0xb: {  	s26 =	sadd.s32 s6, s0;
	s3 =	ssub.s32 s3, s28;
	s2 =	sadd.s32 s2, s6  }
0xc: {  	s7 =	sadd.s32 s7, s1;
	s5 =	sshrl.u32 s5, $0x3;
	[dreg:$0x4] =	wrdreg s2  }
0xd: {  	s6 =	sadd.s32 $0x2A00, s26;
	s9 =	smax.u32 s3, $0x1;
	s10 =	sadd.s32 $0x1400, s7  }
0xe: {  	s11 =	sadd.s32 $0x2800, s7;
	s12 =	sadd.s32 $0x3C00, s7;
	s13 =	sadd.s32 $0x5000, s7  }
0xf: {  	s14 =	sadd.s32 $0x6400, s7;
	s15 =	sadd.s32 $0x7800, s7;
	s16 =	sadd.s32 $0x8C00, s7  }
0x10: {  	s17 =	sadd.s32 $0xA000, s7;
	s18 =	sadd.s32 $0xB400, s7;
	s19 =	sadd.s32 $0xC800, s7  }
0x11: {  	s20 =	sadd.s32 $0xDC00, s7;
	s21 =	sadd.s32 $0xF000, s7;
	s22 =	sadd.s32 $0x10400, s7  }
0x12: {  	s23 =	sadd.s32 $0x11800, s7;
	s24 =	sadd.s32 $0x12C00, s7;
	s0 =	sadd.s32 s5, s0  }
0x13: {  	v0 =	vimm.f32 $0.0e+00;
	s26 =	simm.s32 $0x2;
	s8 =	sadd.s32 $0xAEE00, s0;
	s0 =	simm.s32 $0x0  }
.LBB2_1:
0x14: {  	s3 =	simm.s32 $0x0  }
0x15: {  	s2 =	sand.u32 $0x7E00, s3  }
0x16: {  	s3 =	sand.u32 $0x70, s3;
	s28 =	sshrl.u32 s2, $0x2  }
0x17: {  	s2 =	simm.s32 $0x40;
	s3 =	sor.u32 s3, s28;
	s28 =	simm.s32 $0x0  }
.LBB2_2:
0x18: {  	p0 =	sne.s32 s2, $0x4FC0  }
0x19: {  	[tilespmem:s3+$0xA800] =	vst v0;
	s28 =	sadd.s32 $0x10, s28;
	s3 =	smov.u32 s2;
	s2 =	sadd.s32 $0x40, s2  }
.Ltmp0:
0x1a: {  	(pc) =	sbr.rel @p0 .LBB2_2-.Ltmp0, $4  }
0x1b: {  	_ = 	snop  }
0x1c: {  	s3 =	sand.u32 $0x7E00, s3  }
0x1d: {  	s5 =	sand.u32 $0x70, s28;
	s3 =	sshrl.u32 s3, $0x2  }
0x1e: {  	s3 =	sor.u32 s5, s3  }
0x1f: {  	[tilespmem:s3+$0xA800] =	vst v0  }
0x20: {  	[spmem:s7] =	stream.linear.scatter [tilespmem:s25], [sflag:$0x2], $0x1400, $0x38;
	[tilespmem:$0x1FC00] =	vst v63  }
0x21: {  	_ =	swait.ge [sflag:s26], $0x1400  }
0x22: {  	[sflag:s26] =	ssyncset.done $0x0  }
0x23: {  	[sflag:s26] =	ssyncadd.s32 $0xFFFFEC00  }
0x24: {  	[spmem:s10] =	stream.linear.scatter [tilespmem:s25], [sflag:$0x2], $0x1400, $0x38;
	[tilespmem:$0x1FC00] =	vst v63  }
0x25: {  	_ =	swait.ge [sflag:s26], $0x1400  }
0x26: {  	[sflag:s26] =	ssyncset.done $0x0  }
0x27: {  	[sflag:s26] =	ssyncadd.s32 $0xFFFFEC00  }
0x28: {  	[spmem:s11] =	stream.linear.scatter [tilespmem:s25], [sflag:$0x2], $0x1400, $0x38;
	[tilespmem:$0x1FC00] =	vst v63  }
0x29: {  	_ =	swait.ge [sflag:s26], $0x1400  }
0x2a: {  	[sflag:s26] =	ssyncset.done $0x0  }
0x2b: {  	[sflag:s26] =	ssyncadd.s32 $0xFFFFEC00  }
0x2c: {  	[spmem:s12] =	stream.linear.scatter [tilespmem:s25], [sflag:$0x2], $0x1400, $0x38;
	[tilespmem:$0x1FC00] =	vst v63  }
0x2d: {  	_ =	swait.ge [sflag:s26], $0x1400  }
0x2e: {  	[sflag:s26] =	ssyncset.done $0x0  }
0x2f: {  	[sflag:s26] =	ssyncadd.s32 $0xFFFFEC00  }
0x30: {  	[spmem:s13] =	stream.linear.scatter [tilespmem:s25], [sflag:$0x2], $0x1400, $0x38;
	[tilespmem:$0x1FC00] =	vst v63  }
0x31: {  	_ =	swait.ge [sflag:s26], $0x1400  }
0x32: {  	[sflag:s26] =	ssyncset.done $0x0  }
0x33: {  	[sflag:s26] =	ssyncadd.s32 $0xFFFFEC00  }
0x34: {  	[spmem:s14] =	stream.linear.scatter [tilespmem:s25], [sflag:$0x2], $0x1400, $0x38;
	[tilespmem:$0x1FC00] =	vst v63  }
0x35: {  	_ =	swait.ge [sflag:s26], $0x1400  }
0x36: {  	[sflag:s26] =	ssyncset.done $0x0  }
0x37: {  	[sflag:s26] =	ssyncadd.s32 $0xFFFFEC00  }
0x38: {  	[spmem:s15] =	stream.linear.scatter [tilespmem:s25], [sflag:$0x2], $0x1400, $0x38;
	[tilespmem:$0x1FC00] =	vst v63  }
0x39: {  	_ =	swait.ge [sflag:s26], $0x1400  }
0x3a: {  	[sflag:s26] =	ssyncset.done $0x0  }
0x3b: {  	[sflag:s26] =	ssyncadd.s32 $0xFFFFEC00  }
0x3c: {  	[spmem:s16] =	stream.linear.scatter [tilespmem:s25], [sflag:$0x2], $0x1400, $0x38;
	[tilespmem:$0x1FC00] =	vst v63  }
0x3d: {  	_ =	swait.ge [sflag:s26], $0x1400  }
0x3e: {  	[sflag:s26] =	ssyncset.done $0x0  }
0x3f: {  	[sflag:s26] =	ssyncadd.s32 $0xFFFFEC00  }
0x40: {  	[spmem:s17] =	stream.linear.scatter [tilespmem:s25], [sflag:$0x2], $0x1400, $0x38;
	[tilespmem:$0x1FC00] =	vst v63  }
0x41: {  	_ =	swait.ge [sflag:s26], $0x1400  }
0x42: {  	[sflag:s26] =	ssyncset.done $0x0  }
0x43: {  	[sflag:s26] =	ssyncadd.s32 $0xFFFFEC00  }
0x44: {  	[spmem:s18] =	stream.linear.scatter [tilespmem:s25], [sflag:$0x2], $0x1400, $0x38;
	[tilespmem:$0x1FC00] =	vst v63  }
0x45: {  	_ =	swait.ge [sflag:s26], $0x1400  }
0x46: {  	[sflag:s26] =	ssyncset.done $0x0  }
0x47: {  	[sflag:s26] =	ssyncadd.s32 $0xFFFFEC00  }
0x48: {  	[spmem:s19] =	stream.linear.scatter [tilespmem:s25], [sflag:$0x2], $0x1400, $0x38;
	[tilespmem:$0x1FC00] =	vst v63  }
0x49: {  	_ =	swait.ge [sflag:s26], $0x1400  }
0x4a: {  	[sflag:s26] =	ssyncset.done $0x0  }
0x4b: {  	[sflag:s26] =	ssyncadd.s32 $0xFFFFEC00  }
0x4c: {  	[spmem:s20] =	stream.linear.scatter [tilespmem:s25], [sflag:$0x2], $0x1400, $0x38;
	[tilespmem:$0x1FC00] =	vst v63  }
0x4d: {  	_ =	swait.ge [sflag:s26], $0x1400  }
0x4e: {  	[sflag:s26] =	ssyncset.done $0x0  }
0x4f: {  	[sflag:s26] =	ssyncadd.s32 $0xFFFFEC00  }
0x50: {  	[spmem:s21] =	stream.linear.scatter [tilespmem:s25], [sflag:$0x2], $0x1400, $0x38;
	[tilespmem:$0x1FC00] =	vst v63  }
0x51: {  	_ =	swait.ge [sflag:s26], $0x1400  }
0x52: {  	[sflag:s26] =	ssyncset.done $0x0  }
0x53: {  	[sflag:s26] =	ssyncadd.s32 $0xFFFFEC00  }
0x54: {  	[spmem:s22] =	stream.linear.scatter [tilespmem:s25], [sflag:$0x2], $0x1400, $0x38;
	[tilespmem:$0x1FC00] =	vst v63  }
0x55: {  	_ =	swait.ge [sflag:s26], $0x1400  }
0x56: {  	[sflag:s26] =	ssyncset.done $0x0  }
0x57: {  	[sflag:s26] =	ssyncadd.s32 $0xFFFFEC00  }
0x58: {  	[spmem:s23] =	stream.linear.scatter [tilespmem:s25], [sflag:$0x2], $0x1400, $0x38;
	[tilespmem:$0x1FC00] =	vst v63  }
0x59: {  	_ =	swait.ge [sflag:s26], $0x1400  }
0x5a: {  	[sflag:s26] =	ssyncset.done $0x0  }
0x5b: {  	[sflag:s26] =	ssyncadd.s32 $0xFFFFEC00  }
0x5c: {  	[spmem:s24] =	stream.linear.scatter [tilespmem:s25], [sflag:$0x2], $0x1400, $0x38;
	[tilespmem:$0x1FC00] =	vst v63  }
0x5d: {  	_ =	swait.ge [sflag:s26], $0x1400  }
0x5e: {  	[sflag:s26] =	ssyncset.done $0x0  }
0x5f: {  	s2 =	simm.s32 $0x0;
	s5 =	rddreg [dreg:$0x4];
	[sflag:s26] =	ssyncadd.s32 $0xFFFFEC00  }
0x60: {  	[tilespmem:s2], [sflag:$0x2] =	stream.linear.gather [hbm4b:s5+s2], $0x3E80, $0x38;
	[tilespmem:$0x1FC00] =	vst v63  }
0x61: {  	_ =	swait.ge [sflag:s26], $0x3E80  }
0x62: {  	[sflag:s26] =	ssyncset.done $0x0  }
0x63: {  	s5 =	simm.s32 $0x4000;
	[sflag:s26] =	ssyncadd.s32 $0xFFFFC180  }
0x64: {  	[tilespmem:s5], [sflag:$0x2] =	stream.linear.gather [hbm4b:s6+s2], $0x3E80, $0x38;
	[tilespmem:$0x1FC00] =	vst v63  }
0x65: {  	_ =	swait.ge [sflag:s26], $0x3E80  }
0x66: {  	[sflag:s26] =	ssyncset.done $0x0  }
0x67: {  	[sflag:s26] =	ssyncadd.s32 $0xFFFFC180  }
0x68: {  	s3 =	simm.s32 $0x0;
	[bflag:$0x0] =	sbarrier.arrive $0xFFFF  }
0x69: {  	[tilespmem:s30], [sflag:$0x1] =	stream.indirect.gather [hbm4b:s4+s29], $0x80, s3, s29, $0xb8;
	[tilespmem:$0x1FC00] =	vst v63  }
0x6a: {  	_ =	swait.ge [sflag:s31], $0x2800  }
0x6b: {  	[sflag:s31] =	ssyncset.done $0x0  }
0x6c: {  	s5 =	simm.s32 $0x4000;
	[sflag:s31] =	ssyncadd.s32 $0xFFFFD800  }
0x6d: {  	[spmem:s1] =	stream.indirect.scatter.add.f32 [tilespmem:s30], [sflag:$0x2], $0x80, s5, s29, $0xb8;
	[tilespmem:$0x1FC00] =	vst v63  }
0x6e: {  	_ =	swait.ge [sflag:s26], $0x2800  }
0x6f: {  	s28 =	simm.s32 $0x400;
	s2 =	simm.s32 $0x200;
	[sflag:s26] =	ssyncset.done $0x0  }
.LBB2_4:
0x70: {  	s3 =	sshra.s32 s2, $0x2  }
0x71: {  	[sflag:s26] =	ssyncadd.s32 $0xFFFFD800;
	s2 =	smov.u32 s28;
	s5 =	sadd.s32 $0x200, s28  }
0x72: {  	[tilespmem:s30], [sflag:$0x1] =	stream.indirect.gather [hbm4b:s4+s29], $0x80, s3, s29, $0xb8;
	[tilespmem:$0x1FC00] =	vst v63  }
0x73: {  	p0 =	sne.s32 s28, $0xF800;
	_ =	swait.ge [sflag:s31], $0x2800  }
.Ltmp1:
0x74: {  	[sflag:s31] =	ssyncset.done $0x0;
	(pc) =	sbr.rel @p0 .LBB2_4-.Ltmp1, $4  }
0x75: {  	s3 =	sadd.s32 $0x4000, s3;
	[sflag:s31] =	ssyncadd.s32 $0xFFFFD800  }
0x76: {  	[spmem:s1] =	stream.indirect.scatter.add.f32 [tilespmem:s30], [sflag:$0x2], $0x80, s3, s29, $0xb8;
	[tilespmem:$0x1FC00] =	vst v63  }
0x77: {  	_ =	swait.ge [sflag:s26], $0x2800  }
0x78: {  	s28 =	smov.u32 s5;
	[sflag:s26] =	ssyncset.done $0x0  }
0x79: {  	s2 =	sshra.s32 s2, $0x2;
	[sflag:s26] =	ssyncadd.s32 $0xFFFFD800  }
0x7a: {  	[tilespmem:s30], [sflag:$0x1] =	stream.indirect.gather [hbm4b:s4+s29], $0x80, s2, s29, $0xb8;
	[tilespmem:$0x1FC00] =	vst v63  }
0x7b: {  	_ =	swait.ge [sflag:s31], $0x2800  }
0x7c: {  	[sflag:s31] =	ssyncset.done $0x0  }
0x7d: {  	s2 =	sadd.s32 $0x4000, s2;
	[sflag:s31] =	ssyncadd.s32 $0xFFFFD800  }
0x7e: {  	[spmem:s1] =	stream.indirect.scatter.add.f32 [tilespmem:s30], [sflag:$0x2], $0x80, s2, s29, $0xb8;
	[tilespmem:$0x1FC00] =	vst v63  }
0x7f: {  	s28 =	stileid.u32;
	_ =	swait.ge [sflag:s26], $0x2800  }
0x80: {  	s3 =	sshrl.u32 s7, $0x3;
	s0 =	sadd.s32 $0x1, s0;
	[sflag:s26] =	ssyncset.done $0x0  }
0x81: {  	p0 =	sne.s32 s0, s9;
	s2 =	sshll.u32 s28, $0x6;
	[sflag:s26] =	ssyncadd.s32 $0xFFFFD800  }
.Ltmp2:
0x82: {  	s2 =	sor.u32 $0x1C02, s2;
	[bflag:$0x0] =	sbarrier.arrive $0xFFFF;
	(pc) =	sbr.rel @p0 .LBB2_1-.Ltmp2, $4  }
0x83: {  	[hbm:s8], [sflag:s2] =	dma.local [spmem:s3], $0x2800  }
0x84: {  	_ =	swait.ge [sflag:s26], $0x2800  }
0x85: {  	[sflag:s26] =	ssyncset.done $0x0  }
0x86: {  	[sflag:s26] =	ssyncadd.s32 $0xFFFFD800  }
0x87: {  	_ =	sfence.sel $0x180000  }
0x88: {  	[bflag:$0x0] =	sbarrier.arrive $0xFFFF  }
0x89: {  	_ =	strace $0x90000047  }
0x8a: {  	s0 =	stileid.u32;
	[bflag:$0x2] =	sbarrier.arrive $0xFFFF  }
0x8b: {  	p0 =	sne.s32 s0, $0x0;
	s0 =	rddreg [dreg:$0x3]  }
0x8c: {  	s0 =	sadd.s32 @!p0 $0x100000, s0  }
0x8d: {  	[sflag:s0] =	ssyncadd.tile.s32 @!p0 $0x1;
	_ =	shalt  }
.Lfunc_end2:
_tile_overlayer_lowered:
.L_overlay_start_2:
0x8e: {  	(tag) =	ssettag $0x2  }
0x8f: {  	s0 =	rddreg [dreg:$0x0];
	s2 =	stileid.u32  }
0x90: {  	s1 =	rddreg [dreg:$0x1];
	p0 =	sne.s32 s2, $0x0  }
0x91: {  	s3 =	rddreg [dreg:$0x2];
	[bflag:$0x3] =	sbarrier.arrive $0xFFFF;
	s2 =	simm.s32 @!p0 $0x1C02  }
0x92: {  	[timem:s3], [sflag:s2] =	dma.local @!p0 [hbm:s0], s1  }
0x93: {  	s0 =	simm.s32 @!p0 $0x2  }
0x94: {  	_ =	swait.ge @!p0 [sflag:s0], s1  }
0x95: {  	s1 =	ssub.s32 @!p0 $0x0, s1;
	[sflag:s0] =	ssyncset.done @!p0 $0x0  }
0x96: {  	[sflag:s0] =	ssyncadd.s32 @!p0 s1  }
0x97: {  	[bflag:$0x3] =	sbarrier.arrive $0xFFFF  }
0x98: {  	_ =	shalt  }

// kernel: kernel.17.cloned.1.call-start
scs
__scs_entry_jumppad:
0x0: {  	(pc) =	sbr.rel $0x88, $3  }
0x1: {  	(tag) =	ssettag $0x0;
	lr =	simm.s32 $0x1  }
0x2: {  	[smem:$0x3F8B] =	sst lr;
	_ =	strace $0xD0000000  }
0x3: {  	_ = 	snop  }
0x4: {  	_ = 	snop  }
0x5: {  	_ = 	snop  }
0x6: {  	_ = 	snop  }
0x7: {  	_ = 	snop  }
__scs_overlays_trampoline_lowered:
0x8: {  	[smem:$0x3F9A] =	sst s0  }
0x9: {  	[smem:$0x3F9B] =	sst s1  }
0xa: {  	[smem:$0x3F9C] =	sst s2  }
0xb: {  	[smem:$0x3F9D] =	sst s3  }
0xc: {  	[smem:$0x3F9E] =	sst s4  }
0xd: {  	[smem:$0x3F9F] =	sst s5  }
0xe: {  	[smem:$0x3FA0] =	sst s6  }
0xf: {  	[smem:$0x3FA1] =	sst s7  }
0x10: {  	[smem:$0x3FA2] =	sst s8  }
0x11: {  	[smem:$0x3FA3] =	sst s9;
	s0 =	simm.s32 @!p0 $0x0  }
0x12: {  	s1 =	sld [smem:$0x3F89];
	s0 =	simm.s32 @p0 $0x1  }
0x13: {  	[smem:$0x3FA4] =	sst s0;
	s0 =	simm.s32 @!p1 $0x0  }
0x14: {  	s2 =	sld [smem:$0x3F88];
	s0 =	simm.s32 @p1 $0x1  }
0x15: {  	[smem:$0x3FA5] =	sst s0;
	s0 =	simm.s32 @!p2 $0x0  }
0x16: {  	s3 =	sld [smem:$0x3FDB];
	s0 =	simm.s32 @p2 $0x1  }
0x17: {  	s4 =	simm.s32 $0x1BF5;
	[smem:$0x3FA7] =	sst s0  }
0x18: {  	s0 =	sld [smem:$0x3F8A];
	_ =	swait.ge [sflag:s4], $0x0  }
0x19: {  	s7 =	sld [smem:$0x3F8B]  }
0x1a: {  	s8 =	sadd.s32 $0xFFFFE003, lr  }
0x1b: {  	s9 =	sadd.s32 $0xFFFFFEF7, lr;
	s5 =	simm.s32 $0xFFFFFFFF;
	p2 =	slt.u32 s8, $0xFFFFF086  }
0x1c: {  	p1 =	slt.u32 s9, $0xF7A;
	s5 =	simm.s32 @!p2 $0x0  }
0x1d: {  	s5 =	simm.s32 @p1 $0x1;
	p0 =	seq.s32 s7, s2  }
0x1e: {  	s7 =	smul.u32 @!p0 $0xF7A, s2;
	p2 =	seq.s32 @!p0 s5, $0x0  }
0x1f: {  	s9 =	smul.u32 $0xF7A, s1;
	s8 =	simm.s32 @!p0 $0x1BF5;
	p2 =	por !p2, p0  }
0x20: {  	[sflag:s8] =	ssyncset.s32 @!p0 $0xFFFFF086;
	s6 =	sadd.s32 @!p0 s3, s7;
	s7 =	simm.s32 @!p0 $0x108  }
0x21: {  	s3 =	sadd.s32 s3, s9;
	s6 =	sadd.s32 @!p0 $0x88, s6;
	s7 =	simm.s32 @p2 $0x1082  }
0x22: {  	[simem:s7], [sflag:s8] =	dma.local @!p0 [hbm:s6], $0xF7A  }
0x23: {  	s9 =	sor.u32 $0xD0000000, s2;
	s6 =	simm.s32 $0x108;
	_ =	swait.ge @!p0 [sflag:s8], $0x0  }
0x24: {  	s3 =	sadd.s32 $0x88, s3;
	s6 =	simm.s32 @!p1 $0x1082;
	[sflag:s4] =	ssyncset.s32 $0xFFFFF086  }
0x25: {  	[simem:s6], [sflag:s4] =	dma.local [hbm:s3], $0xF7A  }
0x26: {  	[smem:$0x3F8B] =	sst s1;
	(tag) =	ssettag s2;
	_ =	strace s9  }
0x27: {  	s1 =	sld [smem:$0x3F9B]  }
0x28: {  	s2 =	sld [smem:$0x3F9C]  }
0x29: {  	s4 =	sld [smem:$0x3F9E]  }
0x2a: {  	p0 =	seq.s32 s5, $0x0;
	s5 =	sld [smem:$0x3F9F]  }
0x2b: {  	s6 =	sld [smem:$0x3FA0]  }
0x2c: {  	s7 =	sld [smem:$0x3FA1]  }
0x2d: {  	s3 =	simm.s32 $0x108;
	s8 =	sld [smem:$0x3FA2]  }
0x2e: {  	s3 =	simm.s32 @!p0 $0x1082;
	s9 =	sld [smem:$0x3FA3]  }
0x2f: {  	lr =	sadd.s32 s0, s3;
	s0 =	sld [smem:$0x3F9A]  }
0x30: {  	s3 =	sld [smem:$0x3F9D]  }
0x31: {  	[smem:$0x3FA6] =	sst s10  }
0x32: {  	s10 =	sld [smem:$0x3FA4];
	_ =	sdelay $0x3  }
0x33: {  	p0 =	seq.s32 s10, $0x1;
	s10 =	sld [smem:$0x3FA6];
	_ =	sdelay $0x3  }
0x34: {  	[smem:$0x3FA6] =	sst s10  }
0x35: {  	s10 =	sld [smem:$0x3FA5];
	_ =	sdelay $0x3  }
0x36: {  	p1 =	seq.s32 s10, $0x1;
	s10 =	sld [smem:$0x3FA6];
	_ =	sdelay $0x3  }
0x37: {  	[smem:$0x3FA6] =	sst s10  }
0x38: {  	s10 =	sld [smem:$0x3FA7]  }
0x39: {  	_ = 	snop;
	(pc) =	sbr.ind lr, $3  }
0x3a: {  	_ = 	snop  }
0x3b: {  	_ = 	snop  }
0x3c: {  	p2 =	seq.s32 s10, $0x1;
	s10 =	sld [smem:$0x3FA6]  }
0x3d: {  	_ =	shalt  }
0x3e: {  	_ =	shalt  }
0x3f: {  	_ =	shalt  }
0x40: {  	_ =	shalt  }
0x41: {  	_ =	shalt  }
0x42: {  	_ =	shalt  }
0x43: {  	_ =	shalt  }
0x44: {  	_ =	shalt  }
0x45: {  	_ =	shalt  }
0x46: {  	_ =	shalt  }
0x47: {  	_ =	shalt  }
0x48: {  	_ =	shalt  }
0x49: {  	_ =	shalt  }
0x4a: {  	_ =	shalt  }
0x4b: {  	_ =	shalt  }
0x4c: {  	_ =	shalt  }
0x4d: {  	_ =	shalt  }
0x4e: {  	_ =	shalt  }
0x4f: {  	_ =	shalt  }
0x50: {  	_ =	shalt  }
0x51: {  	_ =	shalt  }
0x52: {  	_ =	shalt  }
0x53: {  	_ =	shalt  }
0x54: {  	_ =	shalt  }
0x55: {  	_ =	shalt  }
0x56: {  	_ =	shalt  }
0x57: {  	_ =	shalt  }
0x58: {  	_ =	shalt  }
0x59: {  	_ =	shalt  }
0x5a: {  	_ =	shalt  }
0x5b: {  	_ =	shalt  }
0x5c: {  	_ =	shalt  }
0x5d: {  	_ =	shalt  }
0x5e: {  	_ =	shalt  }
0x5f: {  	_ =	shalt  }
0x60: {  	_ =	shalt  }
0x61: {  	_ =	shalt  }
0x62: {  	_ =	shalt  }
0x63: {  	_ =	shalt  }
0x64: {  	_ =	shalt  }
0x65: {  	_ =	shalt  }
0x66: {  	_ =	shalt  }
0x67: {  	_ =	shalt  }
0x68: {  	_ =	shalt  }
0x69: {  	_ =	shalt  }
0x6a: {  	_ =	shalt  }
0x6b: {  	_ =	shalt  }
0x6c: {  	_ =	shalt  }
0x6d: {  	_ =	shalt  }
0x6e: {  	_ =	shalt  }
0x6f: {  	_ =	shalt  }
0x70: {  	_ =	shalt  }
0x71: {  	_ =	shalt  }
0x72: {  	_ =	shalt  }
0x73: {  	_ =	shalt  }
0x74: {  	_ =	shalt  }
0x75: {  	_ =	shalt  }
0x76: {  	_ =	shalt  }
0x77: {  	_ =	shalt  }
0x78: {  	_ =	shalt  }
0x79: {  	_ =	shalt  }
0x7a: {  	_ =	shalt  }
0x7b: {  	_ =	shalt  }
0x7c: {  	_ =	shalt  }
0x7d: {  	_ =	shalt  }
0x7e: {  	_ =	shalt  }
0x7f: {  	_ =	shalt  }
0x80: {  	_ =	shalt  }
0x81: {  	_ =	shalt  }
0x82: {  	_ =	shalt  }
0x83: {  	_ =	shalt  }
0x84: {  	_ =	shalt  }
0x85: {  	_ =	shalt  }
0x86: {  	_ =	shalt  }
0x87: {  	_ =	shalt  }
.Lfunc_end0:
.L_simem_size_0:
called_computation.1_lowered:
.L_overlay_start_0:
0x88: {  	s2 =	sld [smem:$0x3FD9]  }
0x89: {  	s3 =	sld [smem:$0x3FFE];
	_ =	sdelay $0x1  }
0x8a: {  	s1 =	srdreg.scid  }
0x8b: {  	s0 =	sand.u32 $0x1, s1  }
0x8c: {  	s17 =	sshll.u32 s0, $0xA;
	s2 =	sadd.s32 s3, s2  }
0x8d: {  	s2 =	sadd.s32 s2, s17  }
0x8e: {  	[smem:$0x3FB2] =	sst s2  }
0x8f: {  	_ = 	snop  }
0x90: {  	s2 =	sld [smem:$0x3FD0];
	(tm) =	ssettm $0x1  }
0x91: {  	s18 =	sld [smem:$0x3FFB];
	_ =	sdelay $0x3  }
0x92: {  	_ =	strace s18  }
0x93: {  	s3 =	sld [smem:$0x3FFC];
	_ =	sdelay $0x3  }
0x94: {  	_ =	strace s3  }
0x95: {  	s3 =	sld [smem:$0x3FFD];
	_ =	sdelay $0x3  }
0x96: {  	_ =	strace s3  }
0x97: {  	_ =	strace $0x8FFFFFFF  }
0x98: {  	s19 =	sld [smem:$0x3FDB];
	_ =	sdelay $0x1  }
0x99: {  	s4 =	simm.s32 $_scs_section_size  }
0x9a: {  	s5 =	simm.s32 $_size__tile_overlayer_lowered;
	s6 =	simm.s32 $_tile_overlayer_lowered  }
0x9b: {  	s22 =	simm.s32 $0x1BFF;
	s21 =	sshll.u32 s6, $0x1;
	s3 =	sadd.s32 s4, s19  }
0x9c: {  	s7 =	simm.s32 $0x0;
	s20 =	sshll.u32 s5, $0x1;
	s5 =	sadd.s32 s21, s3  }
0x9d: {  	[timem:s7], [sflag:s22] =	dma.local [hbm:s5], s20  }
0x9e: {  	_ =	swait.ge [sflag:s22], s20  }
0x9f: {  	s4 =	ssub.s32 $0x0, s20;
	[sflag:s22] =	ssyncset.done $0x0  }
0xa0: {  	[sflag:s22] =	ssyncadd.s32 s4;
	_ =	sdelay $0x1  }
0xa1: {  	s23 =	simm.s32 $0x1B8B  }
0xa2: {  	_ =	swait.ge [sflag:s23], $0x1  }
0xa3: {  	[sflag:s23] =	ssyncset.done $0x0  }
0xa4: {  	s25 =	simm.s32 $0x1B8E;
	s24 =	sld [smem:$0x3FFE];
	[sflag:s23] =	ssyncadd.s32 $0xFFFFFFFF  }
0xa5: {  	s26 =	simm.s32 $execute0_lowered;
	[smem:$0x3FD2] =	sst s25  }
0xa6: {  	s5 =	sshll.u32 s26, $0x1;
	_ =	strace $0x80000049;
	[dreg:$0x1] =	wrdreg $0xFFFFFFFF  }
0xa7: {  	s28 =	simm.s32 $_size_execute0_lowered;
	s3 =	sadd.s32 s3, s5;
	[dreg:$0x0] =	wrdreg $0x0  }
0xa8: {  	s5 =	sshll.u32 s28, $0x1;
	[dreg:$0x2] =	wrdreg s3  }
0xa9: {  	[dreg:$0x3] =	wrdreg s5  }
0xaa: {  	[dreg:$0x4] =	wrdreg $0xC0  }
0xab: {  	_ =	task [dreg:s7], $0x5FFFF  }
0xac: {  	[dreg:$0x1] =	wrdreg $0xFFFFFFFF  }
0xad: {  	[dreg:$0x0] =	wrdreg $0x60  }
0xae: {  	[dreg:$0x2] =	wrdreg s24  }
0xaf: {  	[dreg:$0x3] =	wrdreg s2  }
0xb0: {  	[dreg:$0x4] =	wrdreg $0xBC000  }
0xb1: {  	[dreg:$0x5] =	wrdreg $0x9  }
0xb2: {  	_ =	task.clear_ibuf [dreg:s7], $0x6FFFF;
	_ =	strace $0x90000049  }
0xb3: {  	s29 =	simm.s32 $0x9;
	_ =	strace $0x8000004B  }
0xb4: {  	_ =	swait.ge [sflag:s29], $0x1  }
0xb5: {  	[sflag:s29] =	ssyncadd.s32 $0xFFFFFFFF  }
0xb6: {  	_ =	strace $0x9000004B  }
0xb7: {  	_ =	sfence  }
0xb8: {  	s30 =	sld [smem:$0x0];
	_ =	sdelay $0x2  }
0xb9: {  	s31 =	sshll.u32 s1, $0xD;
	s1 =	sshrl.u32 s1, $0x2  }
0xba: {  	s3 =	sand.u32 $0x4000, s31;
	s1 =	sadd.s32 s1, s30  }
0xbb: {  	s0 =	sor.u32 s3, s0;
	s1 =	sshll.u32 s1, $0x11  }
0xbc: {  	s0 =	sor.u32 s1, s0  }
0xbd: {  	s0 =	sadd.s32 $0x8F2B, s0  }
0xbe: {  	[sflag:s0] =	ssyncadd.remote.s32 $0x1  }
0xbf: {  	_ =	sfence.sel $0xFFFF  }
0xc0: {  	[dreg:$0x0] =	wrdreg $0xFFFFFFFF;
	(pc) =	sbr.abs _section_cstart, $3  }
0xc1: {  	[dreg:$0x1] =	wrdreg $0xFFFFFFFF  }
0xc2: {  	_ =	task.clear_ibuf [dreg:s7], $0x2FFFF;
	_ =	strace $0x9FFFFFFF  }
0xc3: {  	(tm) =	ssettm $0x7FFFFFFF  }
tec
execute0_lowered:
.L_overlay_start_1:
0x0: {  	(tag) =	ssettag $0x1  }
0x1: {  	s0 =	rddreg [dreg:$0x0]  }
0x2: {  	s2 =	rddreg [dreg:$0x1]  }
0x3: {  	s1 =	rddreg [dreg:$0x2]  }
0x4: {  	s4 =	simm.s32 $0x0;
	s3 =	srdreg.scid;
	s9 =	stileid.u32  }
0x5: {  	s29 =	simm.s32 $0x50;
	s30 =	simm.s32 $0x8000;
	s31 =	simm.s32 $0x1  }
0x6: {  	[smem:$0x7FF] =	sst s4;
	s3 =	sand.u32 $0x1, s3;
	s8 =	smul.u32 $0x14000, s9  }
0x7: {  	s7 =	sshll.u32 s9, $0xB;
	s4 =	sadd.s32 $0x12A00, s0;
	s25 =	smul.u32 $0x50000, s9  }
0x8: {  	s5 =	smul.u32 $0x140000, s3;
	s6 =	sshll.u32 s3, $0xF;
	s3 =	ssub.s32 $0x2, s3  }
0x9: {  	_ =	strace $0x8000004A;
	s6 =	sor.u32 s7, s6;
	s28 =	sshrl.u32 s3, $0x1  }
0xa: {  	s7 =	sshrl.u32 s25, $0x2;
	s25 =	simm.s32 $0xA800;
	s5 =	sadd.s32 s8, s5  }
0xb: {  	s26 =	sadd.s32 s6, s0;
	s3 =	ssub.s32 s3, s28;
	s2 =	sadd.s32 s2, s6  }
0xc: {  	s7 =	sadd.s32 s7, s1;
	s5 =	sshrl.u32 s5, $0x3;
	[dreg:$0x4] =	wrdreg s2  }
0xd: {  	s6 =	sadd.s32 $0x2A00, s26;
	s9 =	smax.u32 s3, $0x1;
	s10 =	sadd.s32 $0x1400, s7  }
0xe: {  	s11 =	sadd.s32 $0x2800, s7;
	s12 =	sadd.s32 $0x3C00, s7;
	s13 =	sadd.s32 $0x5000, s7  }
0xf: {  	s14 =	sadd.s32 $0x6400, s7;
	s15 =	sadd.s32 $0x7800, s7;
	s16 =	sadd.s32 $0x8C00, s7  }
0x10: {  	s17 =	sadd.s32 $0xA000, s7;
	s18 =	sadd.s32 $0xB400, s7;
	s19 =	sadd.s32 $0xC800, s7  }
0x11: {  	s20 =	sadd.s32 $0xDC00, s7;
	s21 =	sadd.s32 $0xF000, s7;
	s22 =	sadd.s32 $0x10400, s7  }
0x12: {  	s23 =	sadd.s32 $0x11800, s7;
	s24 =	sadd.s32 $0x12C00, s7;
	s0 =	sadd.s32 s5, s0  }
0x13: {  	v0 =	vimm.f32 $0.0e+00;
	s26 =	simm.s32 $0x2;
	s8 =	sadd.s32 $0xAEE00, s0;
	s0 =	simm.s32 $0x0  }
.LBB2_1:
0x14: {  	s3 =	simm.s32 $0x0  }
0x15: {  	s2 =	sand.u32 $0x7E00, s3  }
0x16: {  	s3 =	sand.u32 $0x70, s3;
	s28 =	sshrl.u32 s2, $0x2  }
0x17: {  	s2 =	simm.s32 $0x40;
	s3 =	sor.u32 s3, s28;
	s28 =	simm.s32 $0x0  }
.LBB2_2:
0x18: {  	p0 =	sne.s32 s2, $0x4FC0  }
0x19: {  	[tilespmem:s3+$0xA800] =	vst v0;
	s28 =	sadd.s32 $0x10, s28;
	s3 =	smov.u32 s2;
	s2 =	sadd.s32 $0x40, s2  }
.Ltmp0:
0x1a: {  	(pc) =	sbr.rel @p0 .LBB2_2-.Ltmp0, $4  }
0x1b: {  	_ = 	snop  }
0x1c: {  	s3 =	sand.u32 $0x7E00, s3  }
0x1d: {  	s5 =	sand.u32 $0x70, s28;
	s3 =	sshrl.u32 s3, $0x2  }
0x1e: {  	s3 =	sor.u32 s5, s3  }
0x1f: {  	[tilespmem:s3+$0xA800] =	vst v0  }
0x20: {  	[spmem:s7] =	stream.linear.scatter [tilespmem:s25], [sflag:$0x2], $0x1400, $0x38;
	[tilespmem:$0x1FC00] =	vst v63  }
0x21: {  	_ =	swait.ge [sflag:s26], $0x1400  }
0x22: {  	[sflag:s26] =	ssyncset.done $0x0  }
0x23: {  	[sflag:s26] =	ssyncadd.s32 $0xFFFFEC00  }
0x24: {  	[spmem:s10] =	stream.linear.scatter [tilespmem:s25], [sflag:$0x2], $0x1400, $0x38;
	[tilespmem:$0x1FC00] =	vst v63  }
0x25: {  	_ =	swait.ge [sflag:s26], $0x1400  }
0x26: {  	[sflag:s26] =	ssyncset.done $0x0  }
0x27: {  	[sflag:s26] =	ssyncadd.s32 $0xFFFFEC00  }
0x28: {  	[spmem:s11] =	stream.linear.scatter [tilespmem:s25], [sflag:$0x2], $0x1400, $0x38;
	[tilespmem:$0x1FC00] =	vst v63  }
0x29: {  	_ =	swait.ge [sflag:s26], $0x1400  }
0x2a: {  	[sflag:s26] =	ssyncset.done $0x0  }
0x2b: {  	[sflag:s26] =	ssyncadd.s32 $0xFFFFEC00  }
0x2c: {  	[spmem:s12] =	stream.linear.scatter [tilespmem:s25], [sflag:$0x2], $0x1400, $0x38;
	[tilespmem:$0x1FC00] =	vst v63  }
0x2d: {  	_ =	swait.ge [sflag:s26], $0x1400  }
0x2e: {  	[sflag:s26] =	ssyncset.done $0x0  }
0x2f: {  	[sflag:s26] =	ssyncadd.s32 $0xFFFFEC00  }
0x30: {  	[spmem:s13] =	stream.linear.scatter [tilespmem:s25], [sflag:$0x2], $0x1400, $0x38;
	[tilespmem:$0x1FC00] =	vst v63  }
0x31: {  	_ =	swait.ge [sflag:s26], $0x1400  }
0x32: {  	[sflag:s26] =	ssyncset.done $0x0  }
0x33: {  	[sflag:s26] =	ssyncadd.s32 $0xFFFFEC00  }
0x34: {  	[spmem:s14] =	stream.linear.scatter [tilespmem:s25], [sflag:$0x2], $0x1400, $0x38;
	[tilespmem:$0x1FC00] =	vst v63  }
0x35: {  	_ =	swait.ge [sflag:s26], $0x1400  }
0x36: {  	[sflag:s26] =	ssyncset.done $0x0  }
0x37: {  	[sflag:s26] =	ssyncadd.s32 $0xFFFFEC00  }
0x38: {  	[spmem:s15] =	stream.linear.scatter [tilespmem:s25], [sflag:$0x2], $0x1400, $0x38;
	[tilespmem:$0x1FC00] =	vst v63  }
0x39: {  	_ =	swait.ge [sflag:s26], $0x1400  }
0x3a: {  	[sflag:s26] =	ssyncset.done $0x0  }
0x3b: {  	[sflag:s26] =	ssyncadd.s32 $0xFFFFEC00  }
0x3c: {  	[spmem:s16] =	stream.linear.scatter [tilespmem:s25], [sflag:$0x2], $0x1400, $0x38;
	[tilespmem:$0x1FC00] =	vst v63  }
0x3d: {  	_ =	swait.ge [sflag:s26], $0x1400  }
0x3e: {  	[sflag:s26] =	ssyncset.done $0x0  }
0x3f: {  	[sflag:s26] =	ssyncadd.s32 $0xFFFFEC00  }
0x40: {  	[spmem:s17] =	stream.linear.scatter [tilespmem:s25], [sflag:$0x2], $0x1400, $0x38;
	[tilespmem:$0x1FC00] =	vst v63  }
0x41: {  	_ =	swait.ge [sflag:s26], $0x1400  }
0x42: {  	[sflag:s26] =	ssyncset.done $0x0  }
0x43: {  	[sflag:s26] =	ssyncadd.s32 $0xFFFFEC00  }
0x44: {  	[spmem:s18] =	stream.linear.scatter [tilespmem:s25], [sflag:$0x2], $0x1400, $0x38;
	[tilespmem:$0x1FC00] =	vst v63  }
0x45: {  	_ =	swait.ge [sflag:s26], $0x1400  }
0x46: {  	[sflag:s26] =	ssyncset.done $0x0  }
0x47: {  	[sflag:s26] =	ssyncadd.s32 $0xFFFFEC00  }
0x48: {  	[spmem:s19] =	stream.linear.scatter [tilespmem:s25], [sflag:$0x2], $0x1400, $0x38;
	[tilespmem:$0x1FC00] =	vst v63  }
0x49: {  	_ =	swait.ge [sflag:s26], $0x1400  }
0x4a: {  	[sflag:s26] =	ssyncset.done $0x0  }
0x4b: {  	[sflag:s26] =	ssyncadd.s32 $0xFFFFEC00  }
0x4c: {  	[spmem:s20] =	stream.linear.scatter [tilespmem:s25], [sflag:$0x2], $0x1400, $0x38;
	[tilespmem:$0x1FC00] =	vst v63  }
0x4d: {  	_ =	swait.ge [sflag:s26], $0x1400  }
0x4e: {  	[sflag:s26] =	ssyncset.done $0x0  }
0x4f: {  	[sflag:s26] =	ssyncadd.s32 $0xFFFFEC00  }
0x50: {  	[spmem:s21] =	stream.linear.scatter [tilespmem:s25], [sflag:$0x2], $0x1400, $0x38;
	[tilespmem:$0x1FC00] =	vst v63  }
0x51: {  	_ =	swait.ge [sflag:s26], $0x1400  }
0x52: {  	[sflag:s26] =	ssyncset.done $0x0  }
0x53: {  	[sflag:s26] =	ssyncadd.s32 $0xFFFFEC00  }
0x54: {  	[spmem:s22] =	stream.linear.scatter [tilespmem:s25], [sflag:$0x2], $0x1400, $0x38;
	[tilespmem:$0x1FC00] =	vst v63  }
0x55: {  	_ =	swait.ge [sflag:s26], $0x1400  }
0x56: {  	[sflag:s26] =	ssyncset.done $0x0  }
0x57: {  	[sflag:s26] =	ssyncadd.s32 $0xFFFFEC00  }
0x58: {  	[spmem:s23] =	stream.linear.scatter [tilespmem:s25], [sflag:$0x2], $0x1400, $0x38;
	[tilespmem:$0x1FC00] =	vst v63  }
0x59: {  	_ =	swait.ge [sflag:s26], $0x1400  }
0x5a: {  	[sflag:s26] =	ssyncset.done $0x0  }
0x5b: {  	[sflag:s26] =	ssyncadd.s32 $0xFFFFEC00  }
0x5c: {  	[spmem:s24] =	stream.linear.scatter [tilespmem:s25], [sflag:$0x2], $0x1400, $0x38;
	[tilespmem:$0x1FC00] =	vst v63  }
0x5d: {  	_ =	swait.ge [sflag:s26], $0x1400  }
0x5e: {  	[sflag:s26] =	ssyncset.done $0x0  }
0x5f: {  	s2 =	simm.s32 $0x0;
	s5 =	rddreg [dreg:$0x4];
	[sflag:s26] =	ssyncadd.s32 $0xFFFFEC00  }
0x60: {  	[tilespmem:s2], [sflag:$0x2] =	stream.linear.gather [hbm4b:s5+s2], $0x3E80, $0x38;
	[tilespmem:$0x1FC00] =	vst v63  }
0x61: {  	_ =	swait.ge [sflag:s26], $0x3E80  }
0x62: {  	[sflag:s26] =	ssyncset.done $0x0  }
0x63: {  	s5 =	simm.s32 $0x4000;
	[sflag:s26] =	ssyncadd.s32 $0xFFFFC180  }
0x64: {  	[tilespmem:s5], [sflag:$0x2] =	stream.linear.gather [hbm4b:s6+s2], $0x3E80, $0x38;
	[tilespmem:$0x1FC00] =	vst v63  }
0x65: {  	_ =	swait.ge [sflag:s26], $0x3E80  }
0x66: {  	[sflag:s26] =	ssyncset.done $0x0  }
0x67: {  	[sflag:s26] =	ssyncadd.s32 $0xFFFFC180  }
0x68: {  	s3 =	simm.s32 $0x0;
	[bflag:$0x0] =	sbarrier.arrive $0xFFFF  }
0x69: {  	[tilespmem:s30], [sflag:$0x1] =	stream.indirect.gather [hbm4b:s4+s29], $0x80, s3, s29, $0xb8;
	[tilespmem:$0x1FC00] =	vst v63  }
0x6a: {  	_ =	swait.ge [sflag:s31], $0x2800  }
0x6b: {  	[sflag:s31] =	ssyncset.done $0x0  }
0x6c: {  	s5 =	simm.s32 $0x4000;
	[sflag:s31] =	ssyncadd.s32 $0xFFFFD800  }
0x6d: {  	[spmem:s1] =	stream.indirect.scatter.add.f32 [tilespmem:s30], [sflag:$0x2], $0x80, s5, s29, $0xb8;
	[tilespmem:$0x1FC00] =	vst v63  }
0x6e: {  	_ =	swait.ge [sflag:s26], $0x2800  }
0x6f: {  	s28 =	simm.s32 $0x400;
	s2 =	simm.s32 $0x200;
	[sflag:s26] =	ssyncset.done $0x0  }
.LBB2_4:
0x70: {  	s3 =	sshra.s32 s2, $0x2  }
0x71: {  	[sflag:s26] =	ssyncadd.s32 $0xFFFFD800;
	s2 =	smov.u32 s28;
	s5 =	sadd.s32 $0x200, s28  }
0x72: {  	[tilespmem:s30], [sflag:$0x1] =	stream.indirect.gather [hbm4b:s4+s29], $0x80, s3, s29, $0xb8;
	[tilespmem:$0x1FC00] =	vst v63  }
0x73: {  	p0 =	sne.s32 s28, $0xF800;
	_ =	swait.ge [sflag:s31], $0x2800  }
.Ltmp1:
0x74: {  	[sflag:s31] =	ssyncset.done $0x0;
	(pc) =	sbr.rel @p0 .LBB2_4-.Ltmp1, $4  }
0x75: {  	s3 =	sadd.s32 $0x4000, s3;
	[sflag:s31] =	ssyncadd.s32 $0xFFFFD800  }
0x76: {  	[spmem:s1] =	stream.indirect.scatter.add.f32 [tilespmem:s30], [sflag:$0x2], $0x80, s3, s29, $0xb8;
	[tilespmem:$0x1FC00] =	vst v63  }
0x77: {  	_ =	swait.ge [sflag:s26], $0x2800  }
0x78: {  	s28 =	smov.u32 s5;
	[sflag:s26] =	ssyncset.done $0x0  }
0x79: {  	s2 =	sshra.s32 s2, $0x2;
	[sflag:s26] =	ssyncadd.s32 $0xFFFFD800  }
0x7a: {  	[tilespmem:s30], [sflag:$0x1] =	stream.indirect.gather [hbm4b:s4+s29], $0x80, s2, s29, $0xb8;
	[tilespmem:$0x1FC00] =	vst v63  }
0x7b: {  	_ =	swait.ge [sflag:s31], $0x2800  }
0x7c: {  	[sflag:s31] =	ssyncset.done $0x0  }
0x7d: {  	s2 =	sadd.s32 $0x4000, s2;
	[sflag:s31] =	ssyncadd.s32 $0xFFFFD800  }
0x7e: {  	[spmem:s1] =	stream.indirect.scatter.add.f32 [tilespmem:s30], [sflag:$0x2], $0x80, s2, s29, $0xb8;
	[tilespmem:$0x1FC00] =	vst v63  }
0x7f: {  	s28 =	stileid.u32;
	_ =	swait.ge [sflag:s26], $0x2800  }
0x80: {  	s3 =	sshrl.u32 s7, $0x3;
	s0 =	sadd.s32 $0x1, s0;
	[sflag:s26] =	ssyncset.done $0x0  }
0x81: {  	p0 =	sne.s32 s0, s9;
	s2 =	sshll.u32 s28, $0x6;
	[sflag:s26] =	ssyncadd.s32 $0xFFFFD800  }
.Ltmp2:
0x82: {  	s2 =	sor.u32 $0x1C02, s2;
	[bflag:$0x0] =	sbarrier.arrive $0xFFFF;
	(pc) =	sbr.rel @p0 .LBB2_1-.Ltmp2, $4  }
0x83: {  	[hbm:s8], [sflag:s2] =	dma.local [spmem:s3], $0x2800  }
0x84: {  	_ =	swait.ge [sflag:s26], $0x2800  }
0x85: {  	[sflag:s26] =	ssyncset.done $0x0  }
0x86: {  	[sflag:s26] =	ssyncadd.s32 $0xFFFFD800  }
0x87: {  	_ =	sfence.sel $0x180000  }
0x88: {  	[bflag:$0x0] =	sbarrier.arrive $0xFFFF  }
0x89: {  	_ =	strace $0x9000004A  }
0x8a: {  	s0 =	stileid.u32;
	[bflag:$0x2] =	sbarrier.arrive $0xFFFF  }
0x8b: {  	p0 =	sne.s32 s0, $0x0;
	s0 =	rddreg [dreg:$0x3]  }
0x8c: {  	s0 =	sadd.s32 @!p0 $0x100000, s0  }
0x8d: {  	[sflag:s0] =	ssyncadd.tile.s32 @!p0 $0x1;
	_ =	shalt  }
.Lfunc_end2:
_tile_overlayer_lowered:
.L_overlay_start_2:
0x8e: {  	(tag) =	ssettag $0x2  }
0x8f: {  	s0 =	rddreg [dreg:$0x0];
	s2 =	stileid.u32  }
0x90: {  	s1 =	rddreg [dreg:$0x1];
	p0 =	sne.s32 s2, $0x0  }
0x91: {  	s3 =	rddreg [dreg:$0x2];
	[bflag:$0x3] =	sbarrier.arrive $0xFFFF;
	s2 =	simm.s32 @!p0 $0x1C02  }
0x92: {  	[timem:s3], [sflag:s2] =	dma.local @!p0 [hbm:s0], s1  }
0x93: {  	s0 =	simm.s32 @!p0 $0x2  }
0x94: {  	_ =	swait.ge @!p0 [sflag:s0], s1  }
0x95: {  	s1 =	ssub.s32 @!p0 $0x0, s1;
	[sflag:s0] =	ssyncset.done @!p0 $0x0  }
0x96: {  	[sflag:s0] =	ssyncadd.s32 @!p0 s1  }
0x97: {  	[bflag:$0x3] =	sbarrier.arrive $0xFFFF  }
0x98: {  	_ =	shalt  }

// kernel: kernel.20.cloned.1.call-start
scs
__scs_entry_jumppad:
0x0: {  	(pc) =	sbr.rel $0x88, $3  }
0x1: {  	(tag) =	ssettag $0x0;
	lr =	simm.s32 $0x1  }
0x2: {  	[smem:$0x3F8B] =	sst lr;
	_ =	strace $0xD0000000  }
0x3: {  	_ = 	snop  }
0x4: {  	_ = 	snop  }
0x5: {  	_ = 	snop  }
0x6: {  	_ = 	snop  }
0x7: {  	_ = 	snop  }
__scs_overlays_trampoline_lowered:
0x8: {  	[smem:$0x3F9A] =	sst s0  }
0x9: {  	[smem:$0x3F9B] =	sst s1  }
0xa: {  	[smem:$0x3F9C] =	sst s2  }
0xb: {  	[smem:$0x3F9D] =	sst s3  }
0xc: {  	[smem:$0x3F9E] =	sst s4  }
0xd: {  	[smem:$0x3F9F] =	sst s5  }
0xe: {  	[smem:$0x3FA0] =	sst s6  }
0xf: {  	[smem:$0x3FA1] =	sst s7  }
0x10: {  	[smem:$0x3FA2] =	sst s8  }
0x11: {  	[smem:$0x3FA3] =	sst s9;
	s0 =	simm.s32 @!p0 $0x0  }
0x12: {  	s1 =	sld [smem:$0x3F89];
	s0 =	simm.s32 @p0 $0x1  }
0x13: {  	[smem:$0x3FA4] =	sst s0;
	s0 =	simm.s32 @!p1 $0x0  }
0x14: {  	s2 =	sld [smem:$0x3F88];
	s0 =	simm.s32 @p1 $0x1  }
0x15: {  	[smem:$0x3FA5] =	sst s0;
	s0 =	simm.s32 @!p2 $0x0  }
0x16: {  	s3 =	sld [smem:$0x3FDB];
	s0 =	simm.s32 @p2 $0x1  }
0x17: {  	s4 =	simm.s32 $0x1BF5;
	[smem:$0x3FA7] =	sst s0  }
0x18: {  	s0 =	sld [smem:$0x3F8A];
	_ =	swait.ge [sflag:s4], $0x0  }
0x19: {  	s7 =	sld [smem:$0x3F8B]  }
0x1a: {  	s8 =	sadd.s32 $0xFFFFE003, lr  }
0x1b: {  	s9 =	sadd.s32 $0xFFFFFEF7, lr;
	s5 =	simm.s32 $0xFFFFFFFF;
	p2 =	slt.u32 s8, $0xFFFFF086  }
0x1c: {  	p1 =	slt.u32 s9, $0xF7A;
	s5 =	simm.s32 @!p2 $0x0  }
0x1d: {  	s5 =	simm.s32 @p1 $0x1;
	p0 =	seq.s32 s7, s2  }
0x1e: {  	s7 =	smul.u32 @!p0 $0xF7A, s2;
	p2 =	seq.s32 @!p0 s5, $0x0  }
0x1f: {  	s9 =	smul.u32 $0xF7A, s1;
	s8 =	simm.s32 @!p0 $0x1BF5;
	p2 =	por !p2, p0  }
0x20: {  	[sflag:s8] =	ssyncset.s32 @!p0 $0xFFFFF086;
	s6 =	sadd.s32 @!p0 s3, s7;
	s7 =	simm.s32 @!p0 $0x108  }
0x21: {  	s3 =	sadd.s32 s3, s9;
	s6 =	sadd.s32 @!p0 $0x88, s6;
	s7 =	simm.s32 @p2 $0x1082  }
0x22: {  	[simem:s7], [sflag:s8] =	dma.local @!p0 [hbm:s6], $0xF7A  }
0x23: {  	s9 =	sor.u32 $0xD0000000, s2;
	s6 =	simm.s32 $0x108;
	_ =	swait.ge @!p0 [sflag:s8], $0x0  }
0x24: {  	s3 =	sadd.s32 $0x88, s3;
	s6 =	simm.s32 @!p1 $0x1082;
	[sflag:s4] =	ssyncset.s32 $0xFFFFF086  }
0x25: {  	[simem:s6], [sflag:s4] =	dma.local [hbm:s3], $0xF7A  }
0x26: {  	[smem:$0x3F8B] =	sst s1;
	(tag) =	ssettag s2;
	_ =	strace s9  }
0x27: {  	s1 =	sld [smem:$0x3F9B]  }
0x28: {  	s2 =	sld [smem:$0x3F9C]  }
0x29: {  	s4 =	sld [smem:$0x3F9E]  }
0x2a: {  	p0 =	seq.s32 s5, $0x0;
	s5 =	sld [smem:$0x3F9F]  }
0x2b: {  	s6 =	sld [smem:$0x3FA0]  }
0x2c: {  	s7 =	sld [smem:$0x3FA1]  }
0x2d: {  	s3 =	simm.s32 $0x108;
	s8 =	sld [smem:$0x3FA2]  }
0x2e: {  	s3 =	simm.s32 @!p0 $0x1082;
	s9 =	sld [smem:$0x3FA3]  }
0x2f: {  	lr =	sadd.s32 s0, s3;
	s0 =	sld [smem:$0x3F9A]  }
0x30: {  	s3 =	sld [smem:$0x3F9D]  }
0x31: {  	[smem:$0x3FA6] =	sst s10  }
0x32: {  	s10 =	sld [smem:$0x3FA4];
	_ =	sdelay $0x3  }
0x33: {  	p0 =	seq.s32 s10, $0x1;
	s10 =	sld [smem:$0x3FA6];
	_ =	sdelay $0x3  }
0x34: {  	[smem:$0x3FA6] =	sst s10  }
0x35: {  	s10 =	sld [smem:$0x3FA5];
	_ =	sdelay $0x3  }
0x36: {  	p1 =	seq.s32 s10, $0x1;
	s10 =	sld [smem:$0x3FA6];
	_ =	sdelay $0x3  }
0x37: {  	[smem:$0x3FA6] =	sst s10  }
0x38: {  	s10 =	sld [smem:$0x3FA7]  }
0x39: {  	_ = 	snop;
	(pc) =	sbr.ind lr, $3  }
0x3a: {  	_ = 	snop  }
0x3b: {  	_ = 	snop  }
0x3c: {  	p2 =	seq.s32 s10, $0x1;
	s10 =	sld [smem:$0x3FA6]  }
0x3d: {  	_ =	shalt  }
0x3e: {  	_ =	shalt  }
0x3f: {  	_ =	shalt  }
0x40: {  	_ =	shalt  }
0x41: {  	_ =	shalt  }
0x42: {  	_ =	shalt  }
0x43: {  	_ =	shalt  }
0x44: {  	_ =	shalt  }
0x45: {  	_ =	shalt  }
0x46: {  	_ =	shalt  }
0x47: {  	_ =	shalt  }
0x48: {  	_ =	shalt  }
0x49: {  	_ =	shalt  }
0x4a: {  	_ =	shalt  }
0x4b: {  	_ =	shalt  }
0x4c: {  	_ =	shalt  }
0x4d: {  	_ =	shalt  }
0x4e: {  	_ =	shalt  }
0x4f: {  	_ =	shalt  }
0x50: {  	_ =	shalt  }
0x51: {  	_ =	shalt  }
0x52: {  	_ =	shalt  }
0x53: {  	_ =	shalt  }
0x54: {  	_ =	shalt  }
0x55: {  	_ =	shalt  }
0x56: {  	_ =	shalt  }
0x57: {  	_ =	shalt  }
0x58: {  	_ =	shalt  }
0x59: {  	_ =	shalt  }
0x5a: {  	_ =	shalt  }
0x5b: {  	_ =	shalt  }
0x5c: {  	_ =	shalt  }
0x5d: {  	_ =	shalt  }
0x5e: {  	_ =	shalt  }
0x5f: {  	_ =	shalt  }
0x60: {  	_ =	shalt  }
0x61: {  	_ =	shalt  }
0x62: {  	_ =	shalt  }
0x63: {  	_ =	shalt  }
0x64: {  	_ =	shalt  }
0x65: {  	_ =	shalt  }
0x66: {  	_ =	shalt  }
0x67: {  	_ =	shalt  }
0x68: {  	_ =	shalt  }
0x69: {  	_ =	shalt  }
0x6a: {  	_ =	shalt  }
0x6b: {  	_ =	shalt  }
0x6c: {  	_ =	shalt  }
0x6d: {  	_ =	shalt  }
0x6e: {  	_ =	shalt  }
0x6f: {  	_ =	shalt  }
0x70: {  	_ =	shalt  }
0x71: {  	_ =	shalt  }
0x72: {  	_ =	shalt  }
0x73: {  	_ =	shalt  }
0x74: {  	_ =	shalt  }
0x75: {  	_ =	shalt  }
0x76: {  	_ =	shalt  }
0x77: {  	_ =	shalt  }
0x78: {  	_ =	shalt  }
0x79: {  	_ =	shalt  }
0x7a: {  	_ =	shalt  }
0x7b: {  	_ =	shalt  }
0x7c: {  	_ =	shalt  }
0x7d: {  	_ =	shalt  }
0x7e: {  	_ =	shalt  }
0x7f: {  	_ =	shalt  }
0x80: {  	_ =	shalt  }
0x81: {  	_ =	shalt  }
0x82: {  	_ =	shalt  }
0x83: {  	_ =	shalt  }
0x84: {  	_ =	shalt  }
0x85: {  	_ =	shalt  }
0x86: {  	_ =	shalt  }
0x87: {  	_ =	shalt  }
.Lfunc_end0:
.L_simem_size_0:
called_computation.2_lowered:
.L_overlay_start_0:
0x88: {  	s2 =	sld [smem:$0x3FD9]  }
0x89: {  	s3 =	sld [smem:$0x3FFE];
	_ =	sdelay $0x1  }
0x8a: {  	s1 =	srdreg.scid  }
0x8b: {  	s0 =	sand.u32 $0x1, s1  }
0x8c: {  	s17 =	sshll.u32 s0, $0xA;
	s2 =	sadd.s32 s3, s2  }
0x8d: {  	s2 =	sadd.s32 s2, s17  }
0x8e: {  	[smem:$0x3FB2] =	sst s2  }
0x8f: {  	_ = 	snop  }
0x90: {  	s2 =	sld [smem:$0x3FD0];
	(tm) =	ssettm $0x1  }
0x91: {  	s18 =	sld [smem:$0x3FFB];
	_ =	sdelay $0x3  }
0x92: {  	_ =	strace s18  }
0x93: {  	s3 =	sld [smem:$0x3FFC];
	_ =	sdelay $0x3  }
0x94: {  	_ =	strace s3  }
0x95: {  	s3 =	sld [smem:$0x3FFD];
	_ =	sdelay $0x3  }
0x96: {  	_ =	strace s3  }
0x97: {  	_ =	strace $0x8FFFFFFF  }
0x98: {  	s19 =	sld [smem:$0x3FDB];
	_ =	sdelay $0x1  }
0x99: {  	s4 =	simm.s32 $_scs_section_size  }
0x9a: {  	s5 =	simm.s32 $_size__tile_overlayer_lowered;
	s6 =	simm.s32 $_tile_overlayer_lowered  }
0x9b: {  	s22 =	simm.s32 $0x1BFF;
	s21 =	sshll.u32 s6, $0x1;
	s3 =	sadd.s32 s4, s19  }
0x9c: {  	s7 =	simm.s32 $0x0;
	s20 =	sshll.u32 s5, $0x1;
	s5 =	sadd.s32 s21, s3  }
0x9d: {  	[timem:s7], [sflag:s22] =	dma.local [hbm:s5], s20  }
0x9e: {  	_ =	swait.ge [sflag:s22], s20  }
0x9f: {  	s4 =	ssub.s32 $0x0, s20;
	[sflag:s22] =	ssyncset.done $0x0  }
0xa0: {  	[sflag:s22] =	ssyncadd.s32 s4;
	_ =	sdelay $0x1  }
0xa1: {  	s23 =	simm.s32 $0x1B8B  }
0xa2: {  	_ =	swait.ge [sflag:s23], $0x1  }
0xa3: {  	[sflag:s23] =	ssyncset.done $0x0  }
0xa4: {  	s25 =	simm.s32 $0x1B8E;
	s24 =	sld [smem:$0x3FFE];
	[sflag:s23] =	ssyncadd.s32 $0xFFFFFFFF  }
0xa5: {  	s26 =	simm.s32 $execute0_lowered;
	[smem:$0x3FD2] =	sst s25  }
0xa6: {  	s5 =	sshll.u32 s26, $0x1;
	_ =	strace $0x8000004C;
	[dreg:$0x1] =	wrdreg $0xFFFFFFFF  }
0xa7: {  	s28 =	simm.s32 $_size_execute0_lowered;
	s3 =	sadd.s32 s3, s5;
	[dreg:$0x0] =	wrdreg $0x0  }
0xa8: {  	s5 =	sshll.u32 s28, $0x1;
	[dreg:$0x2] =	wrdreg s3  }
0xa9: {  	[dreg:$0x3] =	wrdreg s5  }
0xaa: {  	[dreg:$0x4] =	wrdreg $0xC0  }
0xab: {  	_ =	task [dreg:s7], $0x5FFFF  }
0xac: {  	[dreg:$0x1] =	wrdreg $0xFFFFFFFF  }
0xad: {  	[dreg:$0x0] =	wrdreg $0x60  }
0xae: {  	[dreg:$0x2] =	wrdreg s24  }
0xaf: {  	[dreg:$0x3] =	wrdreg s2  }
0xb0: {  	[dreg:$0x4] =	wrdreg $0xBC000  }
0xb1: {  	[dreg:$0x5] =	wrdreg $0x9  }
0xb2: {  	_ =	task.clear_ibuf [dreg:s7], $0x6FFFF;
	_ =	strace $0x9000004C  }
0xb3: {  	s29 =	simm.s32 $0x9;
	_ =	strace $0x8000004E  }
0xb4: {  	_ =	swait.ge [sflag:s29], $0x1  }
0xb5: {  	[sflag:s29] =	ssyncadd.s32 $0xFFFFFFFF  }
0xb6: {  	_ =	strace $0x9000004E  }
0xb7: {  	_ =	sfence  }
0xb8: {  	s30 =	sld [smem:$0x0];
	_ =	sdelay $0x2  }
0xb9: {  	s31 =	sshll.u32 s1, $0xD;
	s1 =	sshrl.u32 s1, $0x2  }
0xba: {  	s3 =	sand.u32 $0x4000, s31;
	s1 =	sadd.s32 s1, s30  }
0xbb: {  	s0 =	sor.u32 s3, s0;
	s1 =	sshll.u32 s1, $0x11  }
0xbc: {  	s0 =	sor.u32 s1, s0  }
0xbd: {  	s0 =	sadd.s32 $0x8F2B, s0  }
0xbe: {  	[sflag:s0] =	ssyncadd.remote.s32 $0x1  }
0xbf: {  	_ =	sfence.sel $0xFFFF  }
0xc0: {  	[dreg:$0x0] =	wrdreg $0xFFFFFFFF;
	(pc) =	sbr.abs _section_cstart, $3  }
0xc1: {  	[dreg:$0x1] =	wrdreg $0xFFFFFFFF  }
0xc2: {  	_ =	task.clear_ibuf [dreg:s7], $0x2FFFF;
	_ =	strace $0x9FFFFFFF  }
0xc3: {  	(tm) =	ssettm $0x7FFFFFFF  }
tec
execute0_lowered:
.L_overlay_start_1:
0x0: {  	(tag) =	ssettag $0x1  }
0x1: {  	s0 =	rddreg [dreg:$0x0]  }
0x2: {  	s2 =	rddreg [dreg:$0x1]  }
0x3: {  	s1 =	rddreg [dreg:$0x2]  }
0x4: {  	s4 =	simm.s32 $0x0;
	s3 =	srdreg.scid;
	s9 =	stileid.u32  }
0x5: {  	s29 =	simm.s32 $0x50;
	s30 =	simm.s32 $0x8000;
	s31 =	simm.s32 $0x1  }
0x6: {  	[smem:$0x7FF] =	sst s4;
	s3 =	sand.u32 $0x1, s3;
	s8 =	smul.u32 $0x14000, s9  }
0x7: {  	s7 =	sshll.u32 s9, $0xB;
	s4 =	sadd.s32 $0x12A00, s0;
	s25 =	smul.u32 $0x50000, s9  }
0x8: {  	s5 =	smul.u32 $0x140000, s3;
	s6 =	sshll.u32 s3, $0xF;
	s3 =	ssub.s32 $0x2, s3  }
0x9: {  	_ =	strace $0x8000004D;
	s6 =	sor.u32 s7, s6;
	s28 =	sshrl.u32 s3, $0x1  }
0xa: {  	s7 =	sshrl.u32 s25, $0x2;
	s25 =	simm.s32 $0xA800;
	s5 =	sadd.s32 s8, s5  }
0xb: {  	s26 =	sadd.s32 s6, s0;
	s3 =	ssub.s32 s3, s28;
	s2 =	sadd.s32 s2, s6  }
0xc: {  	s7 =	sadd.s32 s7, s1;
	s5 =	sshrl.u32 s5, $0x3;
	[dreg:$0x4] =	wrdreg s2  }
0xd: {  	s6 =	sadd.s32 $0x2A00, s26;
	s9 =	smax.u32 s3, $0x1;
	s10 =	sadd.s32 $0x1400, s7  }
0xe: {  	s11 =	sadd.s32 $0x2800, s7;
	s12 =	sadd.s32 $0x3C00, s7;
	s13 =	sadd.s32 $0x5000, s7  }
0xf: {  	s14 =	sadd.s32 $0x6400, s7;
	s15 =	sadd.s32 $0x7800, s7;
	s16 =	sadd.s32 $0x8C00, s7  }
0x10: {  	s17 =	sadd.s32 $0xA000, s7;
	s18 =	sadd.s32 $0xB400, s7;
	s19 =	sadd.s32 $0xC800, s7  }
0x11: {  	s20 =	sadd.s32 $0xDC00, s7;
	s21 =	sadd.s32 $0xF000, s7;
	s22 =	sadd.s32 $0x10400, s7  }
0x12: {  	s23 =	sadd.s32 $0x11800, s7;
	s24 =	sadd.s32 $0x12C00, s7;
	s0 =	sadd.s32 s5, s0  }
0x13: {  	v0 =	vimm.f32 $0.0e+00;
	s26 =	simm.s32 $0x2;
	s8 =	sadd.s32 $0xAEE00, s0;
	s0 =	simm.s32 $0x0  }
.LBB2_1:
0x14: {  	s3 =	simm.s32 $0x0  }
0x15: {  	s2 =	sand.u32 $0x7E00, s3  }
0x16: {  	s3 =	sand.u32 $0x70, s3;
	s28 =	sshrl.u32 s2, $0x2  }
0x17: {  	s2 =	simm.s32 $0x40;
	s3 =	sor.u32 s3, s28;
	s28 =	simm.s32 $0x0  }
.LBB2_2:
0x18: {  	p0 =	sne.s32 s2, $0x4FC0  }
0x19: {  	[tilespmem:s3+$0xA800] =	vst v0;
	s28 =	sadd.s32 $0x10, s28;
	s3 =	smov.u32 s2;
	s2 =	sadd.s32 $0x40, s2  }
.Ltmp0:
0x1a: {  	(pc) =	sbr.rel @p0 .LBB2_2-.Ltmp0, $4  }
0x1b: {  	_ = 	snop  }
0x1c: {  	s3 =	sand.u32 $0x7E00, s3  }
0x1d: {  	s5 =	sand.u32 $0x70, s28;
	s3 =	sshrl.u32 s3, $0x2  }
0x1e: {  	s3 =	sor.u32 s5, s3  }
0x1f: {  	[tilespmem:s3+$0xA800] =	vst v0  }
0x20: {  	[spmem:s7] =	stream.linear.scatter [tilespmem:s25], [sflag:$0x2], $0x1400, $0x38;
	[tilespmem:$0x1FC00] =	vst v63  }
0x21: {  	_ =	swait.ge [sflag:s26], $0x1400  }
0x22: {  	[sflag:s26] =	ssyncset.done $0x0  }
0x23: {  	[sflag:s26] =	ssyncadd.s32 $0xFFFFEC00  }
0x24: {  	[spmem:s10] =	stream.linear.scatter [tilespmem:s25], [sflag:$0x2], $0x1400, $0x38;
	[tilespmem:$0x1FC00] =	vst v63  }
0x25: {  	_ =	swait.ge [sflag:s26], $0x1400  }
0x26: {  	[sflag:s26] =	ssyncset.done $0x0  }
0x27: {  	[sflag:s26] =	ssyncadd.s32 $0xFFFFEC00  }
0x28: {  	[spmem:s11] =	stream.linear.scatter [tilespmem:s25], [sflag:$0x2], $0x1400, $0x38;
	[tilespmem:$0x1FC00] =	vst v63  }
0x29: {  	_ =	swait.ge [sflag:s26], $0x1400  }
0x2a: {  	[sflag:s26] =	ssyncset.done $0x0  }
0x2b: {  	[sflag:s26] =	ssyncadd.s32 $0xFFFFEC00  }
0x2c: {  	[spmem:s12] =	stream.linear.scatter [tilespmem:s25], [sflag:$0x2], $0x1400, $0x38;
	[tilespmem:$0x1FC00] =	vst v63  }
0x2d: {  	_ =	swait.ge [sflag:s26], $0x1400  }
0x2e: {  	[sflag:s26] =	ssyncset.done $0x0  }
0x2f: {  	[sflag:s26] =	ssyncadd.s32 $0xFFFFEC00  }
0x30: {  	[spmem:s13] =	stream.linear.scatter [tilespmem:s25], [sflag:$0x2], $0x1400, $0x38;
	[tilespmem:$0x1FC00] =	vst v63  }
0x31: {  	_ =	swait.ge [sflag:s26], $0x1400  }
0x32: {  	[sflag:s26] =	ssyncset.done $0x0  }
0x33: {  	[sflag:s26] =	ssyncadd.s32 $0xFFFFEC00  }
0x34: {  	[spmem:s14] =	stream.linear.scatter [tilespmem:s25], [sflag:$0x2], $0x1400, $0x38;
	[tilespmem:$0x1FC00] =	vst v63  }
0x35: {  	_ =	swait.ge [sflag:s26], $0x1400  }
0x36: {  	[sflag:s26] =	ssyncset.done $0x0  }
0x37: {  	[sflag:s26] =	ssyncadd.s32 $0xFFFFEC00  }
0x38: {  	[spmem:s15] =	stream.linear.scatter [tilespmem:s25], [sflag:$0x2], $0x1400, $0x38;
	[tilespmem:$0x1FC00] =	vst v63  }
0x39: {  	_ =	swait.ge [sflag:s26], $0x1400  }
0x3a: {  	[sflag:s26] =	ssyncset.done $0x0  }
0x3b: {  	[sflag:s26] =	ssyncadd.s32 $0xFFFFEC00  }
0x3c: {  	[spmem:s16] =	stream.linear.scatter [tilespmem:s25], [sflag:$0x2], $0x1400, $0x38;
	[tilespmem:$0x1FC00] =	vst v63  }
0x3d: {  	_ =	swait.ge [sflag:s26], $0x1400  }
0x3e: {  	[sflag:s26] =	ssyncset.done $0x0  }
0x3f: {  	[sflag:s26] =	ssyncadd.s32 $0xFFFFEC00  }
0x40: {  	[spmem:s17] =	stream.linear.scatter [tilespmem:s25], [sflag:$0x2], $0x1400, $0x38;
	[tilespmem:$0x1FC00] =	vst v63  }
0x41: {  	_ =	swait.ge [sflag:s26], $0x1400  }
0x42: {  	[sflag:s26] =	ssyncset.done $0x0  }
0x43: {  	[sflag:s26] =	ssyncadd.s32 $0xFFFFEC00  }
0x44: {  	[spmem:s18] =	stream.linear.scatter [tilespmem:s25], [sflag:$0x2], $0x1400, $0x38;
	[tilespmem:$0x1FC00] =	vst v63  }
0x45: {  	_ =	swait.ge [sflag:s26], $0x1400  }
0x46: {  	[sflag:s26] =	ssyncset.done $0x0  }
0x47: {  	[sflag:s26] =	ssyncadd.s32 $0xFFFFEC00  }
0x48: {  	[spmem:s19] =	stream.linear.scatter [tilespmem:s25], [sflag:$0x2], $0x1400, $0x38;
	[tilespmem:$0x1FC00] =	vst v63  }
0x49: {  	_ =	swait.ge [sflag:s26], $0x1400  }
0x4a: {  	[sflag:s26] =	ssyncset.done $0x0  }
0x4b: {  	[sflag:s26] =	ssyncadd.s32 $0xFFFFEC00  }
0x4c: {  	[spmem:s20] =	stream.linear.scatter [tilespmem:s25], [sflag:$0x2], $0x1400, $0x38;
	[tilespmem:$0x1FC00] =	vst v63  }
0x4d: {  	_ =	swait.ge [sflag:s26], $0x1400  }
0x4e: {  	[sflag:s26] =	ssyncset.done $0x0  }
0x4f: {  	[sflag:s26] =	ssyncadd.s32 $0xFFFFEC00  }
0x50: {  	[spmem:s21] =	stream.linear.scatter [tilespmem:s25], [sflag:$0x2], $0x1400, $0x38;
	[tilespmem:$0x1FC00] =	vst v63  }
0x51: {  	_ =	swait.ge [sflag:s26], $0x1400  }
0x52: {  	[sflag:s26] =	ssyncset.done $0x0  }
0x53: {  	[sflag:s26] =	ssyncadd.s32 $0xFFFFEC00  }
0x54: {  	[spmem:s22] =	stream.linear.scatter [tilespmem:s25], [sflag:$0x2], $0x1400, $0x38;
	[tilespmem:$0x1FC00] =	vst v63  }
0x55: {  	_ =	swait.ge [sflag:s26], $0x1400  }
0x56: {  	[sflag:s26] =	ssyncset.done $0x0  }
0x57: {  	[sflag:s26] =	ssyncadd.s32 $0xFFFFEC00  }
0x58: {  	[spmem:s23] =	stream.linear.scatter [tilespmem:s25], [sflag:$0x2], $0x1400, $0x38;
	[tilespmem:$0x1FC00] =	vst v63  }
0x59: {  	_ =	swait.ge [sflag:s26], $0x1400  }
0x5a: {  	[sflag:s26] =	ssyncset.done $0x0  }
0x5b: {  	[sflag:s26] =	ssyncadd.s32 $0xFFFFEC00  }
0x5c: {  	[spmem:s24] =	stream.linear.scatter [tilespmem:s25], [sflag:$0x2], $0x1400, $0x38;
	[tilespmem:$0x1FC00] =	vst v63  }
0x5d: {  	_ =	swait.ge [sflag:s26], $0x1400  }
0x5e: {  	[sflag:s26] =	ssyncset.done $0x0  }
0x5f: {  	s2 =	simm.s32 $0x0;
	s5 =	rddreg [dreg:$0x4];
	[sflag:s26] =	ssyncadd.s32 $0xFFFFEC00  }
0x60: {  	[tilespmem:s2], [sflag:$0x2] =	stream.linear.gather [hbm4b:s5+s2], $0x3E80, $0x38;
	[tilespmem:$0x1FC00] =	vst v63  }
0x61: {  	_ =	swait.ge [sflag:s26], $0x3E80  }
0x62: {  	[sflag:s26] =	ssyncset.done $0x0  }
0x63: {  	s5 =	simm.s32 $0x4000;
	[sflag:s26] =	ssyncadd.s32 $0xFFFFC180  }
0x64: {  	[tilespmem:s5], [sflag:$0x2] =	stream.linear.gather [hbm4b:s6+s2], $0x3E80, $0x38;
	[tilespmem:$0x1FC00] =	vst v63  }
0x65: {  	_ =	swait.ge [sflag:s26], $0x3E80  }
0x66: {  	[sflag:s26] =	ssyncset.done $0x0  }
0x67: {  	[sflag:s26] =	ssyncadd.s32 $0xFFFFC180  }
0x68: {  	s3 =	simm.s32 $0x0;
	[bflag:$0x0] =	sbarrier.arrive $0xFFFF  }
0x69: {  	[tilespmem:s30], [sflag:$0x1] =	stream.indirect.gather [hbm4b:s4+s29], $0x80, s3, s29, $0xb8;
	[tilespmem:$0x1FC00] =	vst v63  }
0x6a: {  	_ =	swait.ge [sflag:s31], $0x2800  }
0x6b: {  	[sflag:s31] =	ssyncset.done $0x0  }
0x6c: {  	s5 =	simm.s32 $0x4000;
	[sflag:s31] =	ssyncadd.s32 $0xFFFFD800  }
0x6d: {  	[spmem:s1] =	stream.indirect.scatter.add.f32 [tilespmem:s30], [sflag:$0x2], $0x80, s5, s29, $0xb8;
	[tilespmem:$0x1FC00] =	vst v63  }
0x6e: {  	_ =	swait.ge [sflag:s26], $0x2800  }
0x6f: {  	s28 =	simm.s32 $0x400;
	s2 =	simm.s32 $0x200;
	[sflag:s26] =	ssyncset.done $0x0  }
.LBB2_4:
0x70: {  	s3 =	sshra.s32 s2, $0x2  }
0x71: {  	[sflag:s26] =	ssyncadd.s32 $0xFFFFD800;
	s2 =	smov.u32 s28;
	s5 =	sadd.s32 $0x200, s28  }
0x72: {  	[tilespmem:s30], [sflag:$0x1] =	stream.indirect.gather [hbm4b:s4+s29], $0x80, s3, s29, $0xb8;
	[tilespmem:$0x1FC00] =	vst v63  }
0x73: {  	p0 =	sne.s32 s28, $0xF800;
	_ =	swait.ge [sflag:s31], $0x2800  }
.Ltmp1:
0x74: {  	[sflag:s31] =	ssyncset.done $0x0;
	(pc) =	sbr.rel @p0 .LBB2_4-.Ltmp1, $4  }
0x75: {  	s3 =	sadd.s32 $0x4000, s3;
	[sflag:s31] =	ssyncadd.s32 $0xFFFFD800  }
0x76: {  	[spmem:s1] =	stream.indirect.scatter.add.f32 [tilespmem:s30], [sflag:$0x2], $0x80, s3, s29, $0xb8;
	[tilespmem:$0x1FC00] =	vst v63  }
0x77: {  	_ =	swait.ge [sflag:s26], $0x2800  }
0x78: {  	s28 =	smov.u32 s5;
	[sflag:s26] =	ssyncset.done $0x0  }
0x79: {  	s2 =	sshra.s32 s2, $0x2;
	[sflag:s26] =	ssyncadd.s32 $0xFFFFD800  }
0x7a: {  	[tilespmem:s30], [sflag:$0x1] =	stream.indirect.gather [hbm4b:s4+s29], $0x80, s2, s29, $0xb8;
	[tilespmem:$0x1FC00] =	vst v63  }
0x7b: {  	_ =	swait.ge [sflag:s31], $0x2800  }
0x7c: {  	[sflag:s31] =	ssyncset.done $0x0  }
0x7d: {  	s2 =	sadd.s32 $0x4000, s2;
	[sflag:s31] =	ssyncadd.s32 $0xFFFFD800  }
0x7e: {  	[spmem:s1] =	stream.indirect.scatter.add.f32 [tilespmem:s30], [sflag:$0x2], $0x80, s2, s29, $0xb8;
	[tilespmem:$0x1FC00] =	vst v63  }
0x7f: {  	s28 =	stileid.u32;
	_ =	swait.ge [sflag:s26], $0x2800  }
0x80: {  	s3 =	sshrl.u32 s7, $0x3;
	s0 =	sadd.s32 $0x1, s0;
	[sflag:s26] =	ssyncset.done $0x0  }
0x81: {  	p0 =	sne.s32 s0, s9;
	s2 =	sshll.u32 s28, $0x6;
	[sflag:s26] =	ssyncadd.s32 $0xFFFFD800  }
.Ltmp2:
0x82: {  	s2 =	sor.u32 $0x1C02, s2;
	[bflag:$0x0] =	sbarrier.arrive $0xFFFF;
	(pc) =	sbr.rel @p0 .LBB2_1-.Ltmp2, $4  }
0x83: {  	[hbm:s8], [sflag:s2] =	dma.local [spmem:s3], $0x2800  }
0x84: {  	_ =	swait.ge [sflag:s26], $0x2800  }
0x85: {  	[sflag:s26] =	ssyncset.done $0x0  }
0x86: {  	[sflag:s26] =	ssyncadd.s32 $0xFFFFD800  }
0x87: {  	_ =	sfence.sel $0x180000  }
0x88: {  	[bflag:$0x0] =	sbarrier.arrive $0xFFFF  }
0x89: {  	_ =	strace $0x9000004D  }
0x8a: {  	s0 =	stileid.u32;
	[bflag:$0x2] =	sbarrier.arrive $0xFFFF  }
0x8b: {  	p0 =	sne.s32 s0, $0x0;
	s0 =	rddreg [dreg:$0x3]  }
0x8c: {  	s0 =	sadd.s32 @!p0 $0x100000, s0  }
0x8d: {  	[sflag:s0] =	ssyncadd.tile.s32 @!p0 $0x1;
	_ =	shalt  }
.Lfunc_end2:
_tile_overlayer_lowered:
.L_overlay_start_2:
0x8e: {  	(tag) =	ssettag $0x2  }
0x8f: {  	s0 =	rddreg [dreg:$0x0];
	s2 =	stileid.u32  }
0x90: {  	s1 =	rddreg [dreg:$0x1];
	p0 =	sne.s32 s2, $0x0  }
0x91: {  	s3 =	rddreg [dreg:$0x2];
	[bflag:$0x3] =	sbarrier.arrive $0xFFFF;
	s2 =	simm.s32 @!p0 $0x1C02  }
0x92: {  	[timem:s3], [sflag:s2] =	dma.local @!p0 [hbm:s0], s1  }
0x93: {  	s0 =	simm.s32 @!p0 $0x2  }
0x94: {  	_ =	swait.ge @!p0 [sflag:s0], s1  }
0x95: {  	s1 =	ssub.s32 @!p0 $0x0, s1;
	[sflag:s0] =	ssyncset.done @!p0 $0x0  }
0x96: {  	[sflag:s0] =	ssyncadd.s32 @!p0 s1  }
0x97: {  	[bflag:$0x3] =	sbarrier.arrive $0xFFFF  }
0x98: {  	_ =	shalt  }

</sc_bundles>
